<compile_context>
chip_gen: v7x
topology: tpu7x:2x2x1
jax: 0.10.2.dev20260603
libtpu: 0.0.44.dev20260713+nightly
codegen_flags: <defaults>
</compile_context>

<pallas_src>
import functools

import jax
import jax.numpy as jnp
from jax import lax
from jax.experimental import pallas as pl
from jax.experimental.pallas import tpu as pltpu
from jax.experimental.pallas import tpu_sc as plsc

_NC = 2
_NS = 16
_K = 128


def _round_up(a, b):
    return (a + b - 1) // b * b


@functools.cache
def _make_seg_sum(n_acc, feat, cpw):
    mesh = plsc.VectorSubcoreMesh(
        core_axis_name="c", subcore_axis_name="s",
        num_cores=_NC, num_subcores=_NS)
    rt = n_acc // _NS

    @functools.partial(
        pl.kernel,
        out_type=jax.ShapeDtypeStruct((_NC, n_acc, feat), jnp.float32),
        mesh=mesh,
        scratch_types=[
            pltpu.VMEM((2 * cpw, _K), jnp.int32),
            pltpu.VMEM((_K, feat), jnp.float32),
            pltpu.VMEM_SHARED((n_acc, feat), jnp.float32),
            pltpu.SemaphoreType.DMA,
        ],
        compiler_params=pltpu.CompilerParams(use_tc_tiling_on_sc=False),
    )
    def seg_sum(feat_hbm, idx_hbm, zero_hbm, out_hbm,
                idx_v, rows_v, acc_sh, gsem):
        c = lax.axis_index("c")
        s = lax.axis_index("s")
        wid = s * _NC + c
        row0 = s * rt
        base = wid * cpw * 2
        pltpu.sync_copy(idx_hbm.at[pl.ds(base, 2 * cpw), :], idx_v)
        pltpu.sync_copy(zero_hbm.at[pl.ds(row0, rt)],
                        acc_sh.at[pl.ds(row0, rt)])
        plsc.subcore_barrier()

        def body(j, carry):
            pltpu.async_copy(
                feat_hbm.at[idx_v.at[2 * j]], rows_v, gsem).wait()
            pltpu.sync_copy(rows_v, acc_sh.at[idx_v.at[2 * j + 1]], add=True)
            return carry

        lax.fori_loop(0, cpw, body, 0)
        plsc.subcore_barrier()
        pltpu.sync_copy(acc_sh.at[pl.ds(row0, rt)],
                        out_hbm.at[c, pl.ds(row0, rt)])

    return seg_sum


def _mm_body(x_ref, w_ref, o_ref):
    o_ref[...] = jnp.dot(x_ref[...], w_ref[...],
                         preferred_element_type=jnp.float32)


def _mlp2_body(scale_ref, pre_ref, a0_ref, a1_ref, ba_ref, wb_ref, bb_ref,
               w2_ref, emb_ref, pre2_ref):
    t = (scale_ref[...] * pre_ref[...] + a0_ref[...] + a1_ref[...]
         + ba_ref[...])
    e = jnp.dot(jnp.maximum(t, 0.0), wb_ref[...],
                preferred_element_type=jnp.float32) + bb_ref[...]
    emb_ref[...] = e
    pre2_ref[...] = jnp.dot(jnp.maximum(e, 0.0), w2_ref[...],
                            preferred_element_type=jnp.float32)


def _mlp1_body(scale_ref, pre_ref, a0_ref, a1_ref, ba_ref, wb_ref, bb_ref,
               o_ref):
    t = (scale_ref[...] * pre_ref[...] + a0_ref[...] + a1_ref[...]
         + ba_ref[...])
    o_ref[...] = jnp.dot(jnp.maximum(t, 0.0), wb_ref[...],
                         preferred_element_type=jnp.float32) + bb_ref[...]


def kernel(x, edge_index, W1a, b1a, W1b, b1b, eps1, W2a, b2a, W2b, b2b, eps2):
    n, nf = x.shape
    hc = W1a.shape[1]
    nc = W2b.shape[1]
    e = edge_index.shape[1]

    bk = 1024
    n_pad = _round_up(n + 1, bk)
    x_pad = jnp.concatenate([x, jnp.zeros((n_pad - n, nf), jnp.float32)])

    nw = _NC * _NS
    cpw = -(-e // (nw * _K))
    e_pad = nw * _K * cpw
    src = edge_index[0]
    dst = edge_index[1]
    pad = e_pad - e
    if pad:
        src = jnp.concatenate([src, jnp.zeros((pad,), jnp.int32)])
        dst = jnp.concatenate([dst, jnp.full((pad,), n, jnp.int32)])
    idx = jnp.stack(
        [src.reshape(-1, _K), dst.reshape(-1, _K)], axis=1).reshape(-1, _K)

    zeros_acc = jnp.zeros((n_pad, hc), jnp.float32)
    seg_sum = _make_seg_sum(n_pad, hc, cpw)

    grid = (n_pad // bk,)
    row_spec = lambda w: pl.BlockSpec((bk, w), lambda i: (i, 0))
    bcast_spec = lambda w: pl.BlockSpec((1, w), lambda i: (0, 0))
    sq_spec = lambda w: pl.BlockSpec((w, w), lambda i: (0, 0))

    pre1 = pl.pallas_call(
        _mm_body,
        grid=grid,
        in_specs=[row_spec(nf), pl.BlockSpec((nf, hc), lambda i: (0, 0))],
        out_specs=row_spec(hc),
        out_shape=jax.ShapeDtypeStruct((n_pad, hc), jnp.float32),
    )(x_pad, W1a)

    aggA = seg_sum(pre1, idx, zeros_acc)

    scale1 = jnp.full((1, hc), 1.0, jnp.float32) + eps1
    emb_pad, pre2 = pl.pallas_call(
        _mlp2_body,
        grid=grid,
        in_specs=[bcast_spec(hc), row_spec(hc), row_spec(hc), row_spec(hc),
                  bcast_spec(hc), sq_spec(hc), bcast_spec(hc), sq_spec(hc)],
        out_specs=[row_spec(hc), row_spec(hc)],
        out_shape=[jax.ShapeDtypeStruct((n_pad, hc), jnp.float32),
                   jax.ShapeDtypeStruct((n_pad, hc), jnp.float32)],
    )(scale1, pre1, aggA[0], aggA[1], b1a.reshape(1, hc), W1b,
      b1b.reshape(1, hc), W2a)

    aggB = seg_sum(pre2, idx, zeros_acc)

    scale2 = jnp.full((1, hc), 1.0, jnp.float32) + eps2
    logits_pad = pl.pallas_call(
        _mlp1_body,
        grid=grid,
        in_specs=[bcast_spec(hc), row_spec(hc), row_spec(hc), row_spec(hc),
                  bcast_spec(hc), pl.BlockSpec((hc, nc), lambda i: (0, 0)),
                  bcast_spec(nc)],
        out_specs=row_spec(nc),
        out_shape=jax.ShapeDtypeStruct((n_pad, nc), jnp.float32),
    )(scale2, pre2, aggB[0], aggB[1], b2a.reshape(1, hc), W2b,
      b2b.reshape(1, nc))

    return (logits_pad[:n], emb_pad[:n])

# --- scband reference (transcript-rebuilt; emitter-appended) ---
"""Pipeline reference for scband-ginnet-64733747085463 (READ-ONLY COPY).

The authoritative reference and input builder live on the scoring server;
editing this copy changes nothing except your own understanding.
"""

import jax, jax.numpy as jnp
import numpy as np

N_NODES = 10000
N_EDGES = 320000
NF = 128
HC = 64
NC = 64


def _init_linear(key, fan_in, fan_out):
    k1, k2 = jax.random.split(key)
    bound = 1.0 / np.sqrt(fan_in)
    W = jax.random.uniform(k1, (fan_in, fan_out), minval=-bound, maxval=bound, dtype=jnp.float32)
    b = jax.random.uniform(k2, (fan_out,), minval=-bound, maxval=bound, dtype=jnp.float32)
    return W, b


def setup_inputs(seed: int = 0) -> dict:
    key = jax.random.key(seed)
    ks = jax.random.split(key, 8)
    x = jax.random.normal(ks[0], (N_NODES, NF), dtype=jnp.float32)
    edge_index = jax.random.randint(ks[1], (2, N_EDGES), 0, N_NODES, dtype=jnp.int32)
    W1a, b1a = _init_linear(ks[2], NF, HC)
    W1b, b1b = _init_linear(ks[3], HC, HC)
    W2a, b2a = _init_linear(ks[4], HC, HC)
    W2b, b2b = _init_linear(ks[5], HC, NC)
    eps1 = jnp.zeros((), dtype=jnp.float32)
    eps2 = jnp.zeros((), dtype=jnp.float32)
    return {
        "x": x, "edge_index": edge_index,
        "W1a": W1a, "b1a": b1a, "W1b": W1b, "b1b": b1b, "eps1": eps1,
        "W2a": W2a, "b2a": b2a, "W2b": W2b, "b2b": b2b, "eps2": eps2,
    }


def reference(x, edge_index, W1a, b1a, W1b, b1b, eps1, W2a, b2a, W2b, b2b, eps2):
    src = edge_index[0]
    dst = edge_index[1]
    # --- GINConv layer 1: out = MLP1((1+eps1)*x + sum_{j in N(i)} x_j) ---
    msgs1 = jnp.take(x, src, axis=0)
    agg1 = jax.ops.segment_sum(msgs1, dst, num_segments=N_NODES)
    h1 = (1.0 + eps1) * x + agg1
    emb = jnp.maximum(h1 @ W1a + b1a, 0.0) @ W1b + b1b  # embedding_output
    # relu + dropout (eval mode -> identity)
    h_act = jnp.maximum(emb, 0.0)
    # --- GINConv layer 2 ---
    msgs2 = jnp.take(h_act, src, axis=0)
    agg2 = jax.ops.segment_sum(msgs2, dst, num_segments=N_NODES)
    h2 = (1.0 + eps2) * h_act + agg2
    logits = jnp.maximum(h2 @ W2a + b2a, 0.0) @ W2b + b2b
    return (logits, emb)

if __name__ == "__main__":
    import jax
    _d = setup_inputs()
    print(jax.jit(kernel)(*tuple(_d.values())))

</pallas_src>

<mosaic_0001>
#map = affine_map<(d0, d1) -> (0, 0)>
#map1 = affine_map<(d0, d1) -> (0, 0, 0)>
module attributes {stable_mosaic.version = 14 : i64} {
  func.func @seg_sum(%arg0: i32, %arg1: i32, %arg2: memref<10240x64xf32, #tpu.memory_space<hbm>>, %arg3: memref<5056x128xi32, #tpu.memory_space<hbm>>, %arg4: memref<10240x64xf32, #tpu.memory_space<hbm>>, %arg5: memref<2x10240x64xf32, #tpu.memory_space<hbm>>, %arg6: memref<158x128xi32, #tpu.memory_space<vmem>>, %arg7: memref<128x64xf32, #tpu.memory_space<vmem>>, %arg8: memref<10240x64xf32, #tpu.memory_space<vmem_shared>>, %arg9: memref<!tpu.dma_semaphore, #tpu.memory_space<semaphore_mem>>) attributes {dimension_semantics = [#tpu.dimension_semantics<core_parallel>, #tpu.dimension_semantics<subcore_parallel>], iteration_bounds = array<i64: 2, 16>, scalar_prefetch = 0 : i64, scratch_operands = 4 : i64, tpu.core_type = #tpu.core_type<sc_vector_subcore>, window_params = [{transform_indices = #map}, {transform_indices = #map}, {transform_indices = #map}, {transform_indices = #map1}]} {
    %mul3A = arith.constant 2 : i32
    %mul3A_0 = arith.muli %arg1, %mul3A : i32
    %add3A = arith.addi %mul3A_0, %arg0 : i32
    %mul3A_1 = arith.constant 640 : i32
    %mul3A_2 = arith.muli %arg1, %mul3A_1 : i32
    %mul3A_3 = arith.constant 79 : i32
    %mul3A_4 = arith.muli %add3A, %mul3A_3 : i32
    %mul3A_5 = arith.constant 2 : i32
    %mul3A_6 = arith.muli %mul3A_4, %mul3A_5 : i32
    "tpu.region"() ({
      %run_scoped3A = tpu.sem_alloc : memref<!tpu.dma_semaphore, #tpu.memory_space<semaphore_mem>>
      %dma_start3A = arith.constant 0 : i32
      %dma_start3A_13 = tpu.memref_slice %arg3[%mul3A_6, %dma_start3A] : memref<5056x128xi32, #tpu.memory_space<hbm>> -> memref<158x128xi32, #tpu.memory_space<hbm>>
      %dma_start3A_14 = arith.constant 0 : i32
      %dma_start3A_15 = tpu.memref_slice %arg3[%mul3A_6, %dma_start3A_14] : memref<5056x128xi32, #tpu.memory_space<hbm>> -> memref<158x128xi32, #tpu.memory_space<hbm>>
      tpu.enqueue_dma source(%dma_start3A_15 : memref<158x128xi32, #tpu.memory_space<hbm>>) target(%arg6 : memref<158x128xi32, #tpu.memory_space<vmem>>) target_semaphore(%run_scoped3A : memref<!tpu.dma_semaphore, #tpu.memory_space<semaphore_mem>>)
      %dma_wait3A = arith.constant 0 : i32
      %dma_wait3A_16 = tpu.memref_slice %arg3[%mul3A_6, %dma_wait3A] : memref<5056x128xi32, #tpu.memory_space<hbm>> -> memref<158x128xi32, #tpu.memory_space<hbm>>
      %dma_wait3A_17 = arith.constant 0 : i32
      %dma_wait3A_18 = tpu.memref_slice %arg3[%mul3A_6, %dma_wait3A_17] : memref<5056x128xi32, #tpu.memory_space<hbm>> -> memref<158x128xi32, #tpu.memory_space<hbm>>
      tpu.wait_dma2 semaphore(%run_scoped3A : memref<!tpu.dma_semaphore, #tpu.memory_space<semaphore_mem>>) src(%dma_wait3A_18 : memref<158x128xi32, #tpu.memory_space<hbm>>) dst(%arg6 : memref<158x128xi32, #tpu.memory_space<vmem>>)
      tpu.yield
    }) : () -> ()
    "tpu.region"() ({
      %run_scoped3A = tpu.sem_alloc : memref<!tpu.dma_semaphore, #tpu.memory_space<semaphore_mem>>
      %dma_start3A = arith.constant 0 : i32
      %dma_start3A_13 = tpu.memref_slice %arg8[%mul3A_2, %dma_start3A] : memref<10240x64xf32, #tpu.memory_space<vmem_shared>> -> memref<640x64xf32, #tpu.memory_space<vmem_shared>>
      %dma_start3A_14 = arith.constant 0 : i32
      %dma_start3A_15 = tpu.memref_slice %arg4[%mul3A_2, %dma_start3A_14] : memref<10240x64xf32, #tpu.memory_space<hbm>> -> memref<640x64xf32, #tpu.memory_space<hbm>>
      tpu.enqueue_dma source(%dma_start3A_15 : memref<640x64xf32, #tpu.memory_space<hbm>>) target(%dma_start3A_13 : memref<640x64xf32, #tpu.memory_space<vmem_shared>>) target_semaphore(%run_scoped3A : memref<!tpu.dma_semaphore, #tpu.memory_space<semaphore_mem>>)
      %dma_wait3A = arith.constant 0 : i32
      %dma_wait3A_16 = tpu.memref_slice %arg8[%mul3A_2, %dma_wait3A] : memref<10240x64xf32, #tpu.memory_space<vmem_shared>> -> memref<640x64xf32, #tpu.memory_space<vmem_shared>>
      %dma_wait3A_17 = arith.constant 0 : i32
      %dma_wait3A_18 = tpu.memref_slice %arg4[%mul3A_2, %dma_wait3A_17] : memref<10240x64xf32, #tpu.memory_space<hbm>> -> memref<640x64xf32, #tpu.memory_space<hbm>>
      tpu.wait_dma2 semaphore(%run_scoped3A : memref<!tpu.dma_semaphore, #tpu.memory_space<semaphore_mem>>) src(%dma_wait3A_18 : memref<640x64xf32, #tpu.memory_space<hbm>>) dst(%dma_wait3A_16 : memref<640x64xf32, #tpu.memory_space<vmem_shared>>)
      tpu.yield
    }) : () -> ()
    %barrier3A = arith.constant 0 : index
    tpu.barrier barrier_id(%barrier3A)
    %scan3A = arith.constant 0 : i32
    %scan3A_7 = arith.constant 0 : i32
    %scan3A_8 = arith.constant 79 : i32
    %scan3A_9 = arith.addi %scan3A_7, %scan3A_8 : i32
    %scan3A_10 = arith.constant 1 : i32
    scf.for %scan3A_13 = %scan3A_7 to %scan3A_9 step %scan3A_10  : i32 {
      %mul3A_14 = arith.constant 2 : i32
      %mul3A_15 = arith.muli %mul3A_14, %scan3A_13 : i32
      %dma_start3A = arith.constant 0 : i32
      %dma_start3A_16 = tpu.memref_slice %arg6[%mul3A_15, %dma_start3A] : memref<158x128xi32, #tpu.memory_space<vmem>> -> memref<1x128xi32, #tpu.memory_space<vmem>>
      %dma_start3A_17 = tpu.memref_squeeze %dma_start3A_16 : memref<1x128xi32, #tpu.memory_space<vmem>> -> memref<128xi32, #tpu.memory_space<vmem>>
      %dma_start3A_18 = arith.constant 0 : i32
      %dma_start3A_19 = arith.constant 0 : i32
      %dma_start3A_20 = tpu.memref_slice %arg2[%dma_start3A_18, %dma_start3A_19] : memref<10240x64xf32, #tpu.memory_space<hbm>> -> memref<10240x64xf32, #tpu.memory_space<hbm>>
      tpu.enqueue_indirect_dma source(%dma_start3A_20 : memref<10240x64xf32, #tpu.memory_space<hbm>>) target(%arg7 : memref<128x64xf32, #tpu.memory_space<vmem>>) offsets(%dma_start3A_17 : memref<128xi32, #tpu.memory_space<vmem>>) semaphore(%arg9 : memref<!tpu.dma_semaphore, #tpu.memory_space<semaphore_mem>>)
      %dma_wait3A = arith.constant 0 : i32
      %dma_wait3A_21 = tpu.memref_slice %arg6[%mul3A_15, %dma_wait3A] : memref<158x128xi32, #tpu.memory_space<vmem>> -> memref<1x128xi32, #tpu.memory_space<vmem>>
      %dma_wait3A_22 = tpu.memref_squeeze %dma_wait3A_21 : memref<1x128xi32, #tpu.memory_space<vmem>> -> memref<128xi32, #tpu.memory_space<vmem>>
      %dma_wait3A_23 = arith.constant 0 : i32
      %dma_wait3A_24 = arith.constant 0 : i32
      %dma_wait3A_25 = tpu.memref_slice %arg2[%dma_wait3A_23, %dma_wait3A_24] : memref<10240x64xf32, #tpu.memory_space<hbm>> -> memref<10240x64xf32, #tpu.memory_space<hbm>>
      tpu.wait_indirect_dma semaphore(%arg9 : memref<!tpu.dma_semaphore, #tpu.memory_space<semaphore_mem>>) src(%dma_wait3A_25 : memref<10240x64xf32, #tpu.memory_space<hbm>>) dst(%arg7 : memref<128x64xf32, #tpu.memory_space<vmem>>)
      %mul3A_26 = arith.constant 2 : i32
      %mul3A_27 = arith.muli %mul3A_26, %scan3A_13 : i32
      %add3A_28 = arith.constant 1 : i32
      %add3A_29 = arith.addi %mul3A_27, %add3A_28 : i32
      "tpu.region"() ({
        %run_scoped3A = tpu.sem_alloc : memref<!tpu.dma_semaphore, #tpu.memory_space<semaphore_mem>>
        %dma_start3A_30 = arith.constant 0 : i32
        %dma_start3A_31 = tpu.memref_slice %arg6[%add3A_29, %dma_start3A_30] : memref<158x128xi32, #tpu.memory_space<vmem>> -> memref<1x128xi32, #tpu.memory_space<vmem>>
        %dma_start3A_32 = tpu.memref_squeeze %dma_start3A_31 : memref<1x128xi32, #tpu.memory_space<vmem>> -> memref<128xi32, #tpu.memory_space<vmem>>
        %dma_start3A_33 = arith.constant 0 : i32
        %dma_start3A_34 = arith.constant 0 : i32
        %dma_start3A_35 = tpu.memref_slice %arg8[%dma_start3A_33, %dma_start3A_34] : memref<10240x64xf32, #tpu.memory_space<vmem_shared>> -> memref<10240x64xf32, #tpu.memory_space<vmem_shared>>
        tpu.enqueue_indirect_dma source(%arg7 : memref<128x64xf32, #tpu.memory_space<vmem>>) target(%dma_start3A_35 : memref<10240x64xf32, #tpu.memory_space<vmem_shared>>) offsets(%dma_start3A_32 : memref<128xi32, #tpu.memory_space<vmem>>) semaphore(%run_scoped3A : memref<!tpu.dma_semaphore, #tpu.memory_space<semaphore_mem>>) {add = true}
        %dma_wait3A_36 = arith.constant 0 : i32
        %dma_wait3A_37 = tpu.memref_slice %arg6[%add3A_29, %dma_wait3A_36] : memref<158x128xi32, #tpu.memory_space<vmem>> -> memref<1x128xi32, #tpu.memory_space<vmem>>
        %dma_wait3A_38 = tpu.memref_squeeze %dma_wait3A_37 : memref<1x128xi32, #tpu.memory_space<vmem>> -> memref<128xi32, #tpu.memory_space<vmem>>
        %dma_wait3A_39 = arith.constant 0 : i32
        %dma_wait3A_40 = arith.constant 0 : i32
        %dma_wait3A_41 = tpu.memref_slice %arg8[%dma_wait3A_39, %dma_wait3A_40] : memref<10240x64xf32, #tpu.memory_space<vmem_shared>> -> memref<10240x64xf32, #tpu.memory_space<vmem_shared>>
        tpu.wait_indirect_dma semaphore(%run_scoped3A : memref<!tpu.dma_semaphore, #tpu.memory_space<semaphore_mem>>) src(%arg7 : memref<128x64xf32, #tpu.memory_space<vmem>>) dst(%dma_wait3A_41 : memref<10240x64xf32, #tpu.memory_space<vmem_shared>>)
        tpu.yield
      }) : () -> ()
    }
    %scan3A_11 = arith.constant 79 : i32
    %barrier3A_12 = arith.constant 0 : index
    tpu.barrier barrier_id(%barrier3A_12)
    "tpu.region"() ({
      %run_scoped3A = tpu.sem_alloc : memref<!tpu.dma_semaphore, #tpu.memory_space<semaphore_mem>>
      %dma_start3A = arith.constant 0 : i32
      %dma_start3A_13 = tpu.memref_slice %arg5[%arg0, %mul3A_2, %dma_start3A] : memref<2x10240x64xf32, #tpu.memory_space<hbm>> -> memref<1x640x64xf32, #tpu.memory_space<hbm>>
      %dma_start3A_14 = tpu.memref_squeeze %dma_start3A_13 : memref<1x640x64xf32, #tpu.memory_space<hbm>> -> memref<640x64xf32, #tpu.memory_space<hbm>>
      %dma_start3A_15 = arith.constant 0 : i32
      %dma_start3A_16 = tpu.memref_slice %arg8[%mul3A_2, %dma_start3A_15] : memref<10240x64xf32, #tpu.memory_space<vmem_shared>> -> memref<640x64xf32, #tpu.memory_space<vmem_shared>>
      tpu.enqueue_dma source(%dma_start3A_16 : memref<640x64xf32, #tpu.memory_space<vmem_shared>>) target(%dma_start3A_14 : memref<640x64xf32, #tpu.memory_space<hbm>>) target_semaphore(%run_scoped3A : memref<!tpu.dma_semaphore, #tpu.memory_space<semaphore_mem>>)
      %dma_wait3A = arith.constant 0 : i32
      %dma_wait3A_17 = tpu.memref_slice %arg5[%arg0, %mul3A_2, %dma_wait3A] : memref<2x10240x64xf32, #tpu.memory_space<hbm>> -> memref<1x640x64xf32, #tpu.memory_space<hbm>>
      %dma_wait3A_18 = tpu.memref_squeeze %dma_wait3A_17 : memref<1x640x64xf32, #tpu.memory_space<hbm>> -> memref<640x64xf32, #tpu.memory_space<hbm>>
      %dma_wait3A_19 = arith.constant 0 : i32
      %dma_wait3A_20 = tpu.memref_slice %arg8[%mul3A_2, %dma_wait3A_19] : memref<10240x64xf32, #tpu.memory_space<vmem_shared>> -> memref<640x64xf32, #tpu.memory_space<vmem_shared>>
      tpu.wait_dma2 semaphore(%run_scoped3A : memref<!tpu.dma_semaphore, #tpu.memory_space<semaphore_mem>>) src(%dma_wait3A_20 : memref<640x64xf32, #tpu.memory_space<vmem_shared>>) dst(%dma_wait3A_18 : memref<640x64xf32, #tpu.memory_space<hbm>>)
      tpu.yield
    }) : () -> ()
    return
  }
}

#map = affine_map<(d0, d1) -> (0, 0)>
#map1 = affine_map<(d0, d1) -> (0, 0, 0)>
module attributes {stable_mosaic.version = 14 : i64} {
  func.func @seg_sum(%arg0: i32, %arg1: i32, %arg2: memref<10240x64xf32, #tpu.memory_space<hbm>>, %arg3: memref<5056x128xi32, #tpu.memory_space<hbm>>, %arg4: memref<10240x64xf32, #tpu.memory_space<hbm>>, %arg5: memref<2x10240x64xf32, #tpu.memory_space<hbm>>, %arg6: memref<158x128xi32, #tpu.memory_space<vmem>>, %arg7: memref<128x64xf32, #tpu.memory_space<vmem>>, %arg8: memref<10240x64xf32, #tpu.memory_space<vmem_shared>>, %arg9: memref<!tpu.dma_semaphore, #tpu.memory_space<semaphore_mem>>) attributes {dimension_semantics = [#tpu.dimension_semantics<core_parallel>, #tpu.dimension_semantics<subcore_parallel>], iteration_bounds = array<i64: 2, 16>, scalar_prefetch = 0 : i64, scratch_operands = 4 : i64, tpu.core_type = #tpu.core_type<sc_vector_subcore>, window_params = [{transform_indices = #map}, {transform_indices = #map}, {transform_indices = #map}, {transform_indices = #map1}]} {
    %mul3A = arith.constant 2 : i32
    %mul3A_0 = arith.muli %arg1, %mul3A : i32
    %add3A = arith.addi %mul3A_0, %arg0 : i32
    %mul3A_1 = arith.constant 640 : i32
    %mul3A_2 = arith.muli %arg1, %mul3A_1 : i32
    %mul3A_3 = arith.constant 79 : i32
    %mul3A_4 = arith.muli %add3A, %mul3A_3 : i32
    %mul3A_5 = arith.constant 2 : i32
    %mul3A_6 = arith.muli %mul3A_4, %mul3A_5 : i32
    "tpu.region"() ({
      %run_scoped3A = tpu.sem_alloc : memref<!tpu.dma_semaphore, #tpu.memory_space<semaphore_mem>>
      %dma_start3A = arith.constant 0 : i32
      %dma_start3A_13 = tpu.memref_slice %arg3[%mul3A_6, %dma_start3A] : memref<5056x128xi32, #tpu.memory_space<hbm>> -> memref<158x128xi32, #tpu.memory_space<hbm>>
      %dma_start3A_14 = arith.constant 0 : i32
      %dma_start3A_15 = tpu.memref_slice %arg3[%mul3A_6, %dma_start3A_14] : memref<5056x128xi32, #tpu.memory_space<hbm>> -> memref<158x128xi32, #tpu.memory_space<hbm>>
      tpu.enqueue_dma source(%dma_start3A_15 : memref<158x128xi32, #tpu.memory_space<hbm>>) target(%arg6 : memref<158x128xi32, #tpu.memory_space<vmem>>) target_semaphore(%run_scoped3A : memref<!tpu.dma_semaphore, #tpu.memory_space<semaphore_mem>>)
      %dma_wait3A = arith.constant 0 : i32
      %dma_wait3A_16 = tpu.memref_slice %arg3[%mul3A_6, %dma_wait3A] : memref<5056x128xi32, #tpu.memory_space<hbm>> -> memref<158x128xi32, #tpu.memory_space<hbm>>
      %dma_wait3A_17 = arith.constant 0 : i32
      %dma_wait3A_18 = tpu.memref_slice %arg3[%mul3A_6, %dma_wait3A_17] : memref<5056x128xi32, #tpu.memory_space<hbm>> -> memref<158x128xi32, #tpu.memory_space<hbm>>
      tpu.wait_dma2 semaphore(%run_scoped3A : memref<!tpu.dma_semaphore, #tpu.memory_space<semaphore_mem>>) src(%dma_wait3A_18 : memref<158x128xi32, #tpu.memory_space<hbm>>) dst(%arg6 : memref<158x128xi32, #tpu.memory_space<vmem>>)
      tpu.yield
    }) : () -> ()
    "tpu.region"() ({
      %run_scoped3A = tpu.sem_alloc : memref<!tpu.dma_semaphore, #tpu.memory_space<semaphore_mem>>
      %dma_start3A = arith.constant 0 : i32
      %dma_start3A_13 = tpu.memref_slice %arg8[%mul3A_2, %dma_start3A] : memref<10240x64xf32, #tpu.memory_space<vmem_shared>> -> memref<640x64xf32, #tpu.memory_space<vmem_shared>>
      %dma_start3A_14 = arith.constant 0 : i32
      %dma_start3A_15 = tpu.memref_slice %arg4[%mul3A_2, %dma_start3A_14] : memref<10240x64xf32, #tpu.memory_space<hbm>> -> memref<640x64xf32, #tpu.memory_space<hbm>>
      tpu.enqueue_dma source(%dma_start3A_15 : memref<640x64xf32, #tpu.memory_space<hbm>>) target(%dma_start3A_13 : memref<640x64xf32, #tpu.memory_space<vmem_shared>>) target_semaphore(%run_scoped3A : memref<!tpu.dma_semaphore, #tpu.memory_space<semaphore_mem>>)
      %dma_wait3A = arith.constant 0 : i32
      %dma_wait3A_16 = tpu.memref_slice %arg8[%mul3A_2, %dma_wait3A] : memref<10240x64xf32, #tpu.memory_space<vmem_shared>> -> memref<640x64xf32, #tpu.memory_space<vmem_shared>>
      %dma_wait3A_17 = arith.constant 0 : i32
      %dma_wait3A_18 = tpu.memref_slice %arg4[%mul3A_2, %dma_wait3A_17] : memref<10240x64xf32, #tpu.memory_space<hbm>> -> memref<640x64xf32, #tpu.memory_space<hbm>>
      tpu.wait_dma2 semaphore(%run_scoped3A : memref<!tpu.dma_semaphore, #tpu.memory_space<semaphore_mem>>) src(%dma_wait3A_18 : memref<640x64xf32, #tpu.memory_space<hbm>>) dst(%dma_wait3A_16 : memref<640x64xf32, #tpu.memory_space<vmem_shared>>)
      tpu.yield
    }) : () -> ()
    %barrier3A = arith.constant 0 : index
    tpu.barrier barrier_id(%barrier3A)
    %scan3A = arith.constant 0 : i32
    %scan3A_7 = arith.constant 0 : i32
    %scan3A_8 = arith.constant 79 : i32
    %scan3A_9 = arith.addi %scan3A_7, %scan3A_8 : i32
    %scan3A_10 = arith.constant 1 : i32
    scf.for %scan3A_13 = %scan3A_7 to %scan3A_9 step %scan3A_10  : i32 {
      %mul3A_14 = arith.constant 2 : i32
      %mul3A_15 = arith.muli %mul3A_14, %scan3A_13 : i32
      %dma_start3A = arith.constant 0 : i32
      %dma_start3A_16 = tpu.memref_slice %arg6[%mul3A_15, %dma_start3A] : memref<158x128xi32, #tpu.memory_space<vmem>> -> memref<1x128xi32, #tpu.memory_space<vmem>>
      %dma_start3A_17 = tpu.memref_squeeze %dma_start3A_16 : memref<1x128xi32, #tpu.memory_space<vmem>> -> memref<128xi32, #tpu.memory_space<vmem>>
      %dma_start3A_18 = arith.constant 0 : i32
      %dma_start3A_19 = arith.constant 0 : i32
      %dma_start3A_20 = tpu.memref_slice %arg2[%dma_start3A_18, %dma_start3A_19] : memref<10240x64xf32, #tpu.memory_space<hbm>> -> memref<10240x64xf32, #tpu.memory_space<hbm>>
      tpu.enqueue_indirect_dma source(%dma_start3A_20 : memref<10240x64xf32, #tpu.memory_space<hbm>>) target(%arg7 : memref<128x64xf32, #tpu.memory_space<vmem>>) offsets(%dma_start3A_17 : memref<128xi32, #tpu.memory_space<vmem>>) semaphore(%arg9 : memref<!tpu.dma_semaphore, #tpu.memory_space<semaphore_mem>>)
      %dma_wait3A = arith.constant 0 : i32
      %dma_wait3A_21 = tpu.memref_slice %arg6[%mul3A_15, %dma_wait3A] : memref<158x128xi32, #tpu.memory_space<vmem>> -> memref<1x128xi32, #tpu.memory_space<vmem>>
      %dma_wait3A_22 = tpu.memref_squeeze %dma_wait3A_21 : memref<1x128xi32, #tpu.memory_space<vmem>> -> memref<128xi32, #tpu.memory_space<vmem>>
      %dma_wait3A_23 = arith.constant 0 : i32
      %dma_wait3A_24 = arith.constant 0 : i32
      %dma_wait3A_25 = tpu.memref_slice %arg2[%dma_wait3A_23, %dma_wait3A_24] : memref<10240x64xf32, #tpu.memory_space<hbm>> -> memref<10240x64xf32, #tpu.memory_space<hbm>>
      tpu.wait_indirect_dma semaphore(%arg9 : memref<!tpu.dma_semaphore, #tpu.memory_space<semaphore_mem>>) src(%dma_wait3A_25 : memref<10240x64xf32, #tpu.memory_space<hbm>>) dst(%arg7 : memref<128x64xf32, #tpu.memory_space<vmem>>)
      %mul3A_26 = arith.constant 2 : i32
      %mul3A_27 = arith.muli %mul3A_26, %scan3A_13 : i32
      %add3A_28 = arith.constant 1 : i32
      %add3A_29 = arith.addi %mul3A_27, %add3A_28 : i32
      "tpu.region"() ({
        %run_scoped3A = tpu.sem_alloc : memref<!tpu.dma_semaphore, #tpu.memory_space<semaphore_mem>>
        %dma_start3A_30 = arith.constant 0 : i32
        %dma_start3A_31 = tpu.memref_slice %arg6[%add3A_29, %dma_start3A_30] : memref<158x128xi32, #tpu.memory_space<vmem>> -> memref<1x128xi32, #tpu.memory_space<vmem>>
        %dma_start3A_32 = tpu.memref_squeeze %dma_start3A_31 : memref<1x128xi32, #tpu.memory_space<vmem>> -> memref<128xi32, #tpu.memory_space<vmem>>
        %dma_start3A_33 = arith.constant 0 : i32
        %dma_start3A_34 = arith.constant 0 : i32
        %dma_start3A_35 = tpu.memref_slice %arg8[%dma_start3A_33, %dma_start3A_34] : memref<10240x64xf32, #tpu.memory_space<vmem_shared>> -> memref<10240x64xf32, #tpu.memory_space<vmem_shared>>
        tpu.enqueue_indirect_dma source(%arg7 : memref<128x64xf32, #tpu.memory_space<vmem>>) target(%dma_start3A_35 : memref<10240x64xf32, #tpu.memory_space<vmem_shared>>) offsets(%dma_start3A_32 : memref<128xi32, #tpu.memory_space<vmem>>) semaphore(%run_scoped3A : memref<!tpu.dma_semaphore, #tpu.memory_space<semaphore_mem>>) {add = true}
        %dma_wait3A_36 = arith.constant 0 : i32
        %dma_wait3A_37 = tpu.memref_slice %arg6[%add3A_29, %dma_wait3A_36] : memref<158x128xi32, #tpu.memory_space<vmem>> -> memref<1x128xi32, #tpu.memory_space<vmem>>
        %dma_wait3A_38 = tpu.memref_squeeze %dma_wait3A_37 : memref<1x128xi32, #tpu.memory_space<vmem>> -> memref<128xi32, #tpu.memory_space<vmem>>
        %dma_wait3A_39 = arith.constant 0 : i32
        %dma_wait3A_40 = arith.constant 0 : i32
        %dma_wait3A_41 = tpu.memref_slice %arg8[%dma_wait3A_39, %dma_wait3A_40] : memref<10240x64xf32, #tpu.memory_space<vmem_shared>> -> memref<10240x64xf32, #tpu.memory_space<vmem_shared>>
        tpu.wait_indirect_dma semaphore(%run_scoped3A : memref<!tpu.dma_semaphore, #tpu.memory_space<semaphore_mem>>) src(%arg7 : memref<128x64xf32, #tpu.memory_space<vmem>>) dst(%dma_wait3A_41 : memref<10240x64xf32, #tpu.memory_space<vmem_shared>>)
        tpu.yield
      }) : () -> ()
    }
    %scan3A_11 = arith.constant 79 : i32
    %barrier3A_12 = arith.constant 0 : index
    tpu.barrier barrier_id(%barrier3A_12)
    "tpu.region"() ({
      %run_scoped3A = tpu.sem_alloc : memref<!tpu.dma_semaphore, #tpu.memory_space<semaphore_mem>>
      %dma_start3A = arith.constant 0 : i32
      %dma_start3A_13 = tpu.memref_slice %arg5[%arg0, %mul3A_2, %dma_start3A] : memref<2x10240x64xf32, #tpu.memory_space<hbm>> -> memref<1x640x64xf32, #tpu.memory_space<hbm>>
      %dma_start3A_14 = tpu.memref_squeeze %dma_start3A_13 : memref<1x640x64xf32, #tpu.memory_space<hbm>> -> memref<640x64xf32, #tpu.memory_space<hbm>>
      %dma_start3A_15 = arith.constant 0 : i32
      %dma_start3A_16 = tpu.memref_slice %arg8[%mul3A_2, %dma_start3A_15] : memref<10240x64xf32, #tpu.memory_space<vmem_shared>> -> memref<640x64xf32, #tpu.memory_space<vmem_shared>>
      tpu.enqueue_dma source(%dma_start3A_16 : memref<640x64xf32, #tpu.memory_space<vmem_shared>>) target(%dma_start3A_14 : memref<640x64xf32, #tpu.memory_space<hbm>>) target_semaphore(%run_scoped3A : memref<!tpu.dma_semaphore, #tpu.memory_space<semaphore_mem>>)
      %dma_wait3A = arith.constant 0 : i32
      %dma_wait3A_17 = tpu.memref_slice %arg5[%arg0, %mul3A_2, %dma_wait3A] : memref<2x10240x64xf32, #tpu.memory_space<hbm>> -> memref<1x640x64xf32, #tpu.memory_space<hbm>>
      %dma_wait3A_18 = tpu.memref_squeeze %dma_wait3A_17 : memref<1x640x64xf32, #tpu.memory_space<hbm>> -> memref<640x64xf32, #tpu.memory_space<hbm>>
      %dma_wait3A_19 = arith.constant 0 : i32
      %dma_wait3A_20 = tpu.memref_slice %arg8[%mul3A_2, %dma_wait3A_19] : memref<10240x64xf32, #tpu.memory_space<vmem_shared>> -> memref<640x64xf32, #tpu.memory_space<vmem_shared>>
      tpu.wait_dma2 semaphore(%run_scoped3A : memref<!tpu.dma_semaphore, #tpu.memory_space<semaphore_mem>>) src(%dma_wait3A_20 : memref<640x64xf32, #tpu.memory_space<vmem_shared>>) dst(%dma_wait3A_18 : memref<640x64xf32, #tpu.memory_space<hbm>>)
      tpu.yield
    }) : () -> ()
    return
  }
}

module attributes {stable_mosaic.version = 14 : i64} {
  func.func @_mm_body(%arg0: i32, %arg1: memref<1024x128xf32, #tpu.memory_space<vmem>>, %arg2: memref<128x64xf32, #tpu.memory_space<vmem>>, %arg3: memref<1024x64xf32, #tpu.memory_space<vmem>>) attributes {dimension_semantics = [#tpu.dimension_semantics<arbitrary>], iteration_bounds = array<i64: 10>, scalar_prefetch = 0 : i64, scratch_operands = 0 : i64, tpu.core_type = #tpu.core_type<tc>, window_params = [{transform_indices = @transform_0, window_bounds = array<i64: 1024, 128>}, {pipeline_mode = #tpu.pipeline_mode<synchronous>, transform_indices = @transform_1, window_bounds = array<i64: 128, 64>}, {transform_indices = @transform_2, window_bounds = array<i64: 1024, 64>}]} {
    %get3A = arith.constant 0 : index
    %get3A_0 = arith.constant 0 : index
    %get3A_1 = vector.load %arg1[%get3A, %get3A_0] : memref<1024x128xf32, #tpu.memory_space<vmem>>, vector<1024x128xf32>
    %get3A_2 = arith.constant 0 : index
    %get3A_3 = arith.constant 0 : index
    %get3A_4 = vector.load %arg2[%get3A_2, %get3A_3] : memref<128x64xf32, #tpu.memory_space<vmem>>, vector<128x64xf32>
    %dot_general3A = arith.constant dense<0.000000e+00> : vector<1024x64xf32>
    %dot_general3A_5 = tpu.matmul %get3A_1, %get3A_4, %dot_general3A {dimension_numbers = #tpu.dot_dimension_numbers<[1], [0], [0], [1], [0, 0, 1, 1], [], []>, transpose_lhs_hint = false} : vector<1024x128xf32>, vector<128x64xf32>, vector<1024x64xf32> -> vector<1024x64xf32>
    %swap3A = arith.constant 0 : index
    %swap3A_6 = arith.constant 0 : index
    %swap3A_7 = vector.load %arg3[%swap3A, %swap3A_6] : memref<1024x64xf32, #tpu.memory_space<vmem>>, vector<1024x64xf32>
    tpu.vector_store %arg3[%swap3A, %swap3A_6], %dot_general3A_5 {strides = array<i32>} : memref<1024x64xf32, #tpu.memory_space<vmem>>, vector<1024x64xf32>,
    return
  }
  func.func @transform_0(%arg0: i32) -> (i32, i32) {
    %c0_i32 = arith.constant 0 : i32
    %c0_i32_0 = arith.constant 0 : i32
    return %arg0, %c0_i32 : i32, i32
  }
  func.func @transform_1(%arg0: i32) -> (i32, i32) {
    %c0_i32 = arith.constant 0 : i32
    %c0_i32_0 = arith.constant 0 : i32
    %c0_i32_1 = arith.constant 0 : i32
    return %c0_i32, %c0_i32_0 : i32, i32
  }
  func.func @transform_2(%arg0: i32) -> (i32, i32) {
    %c0_i32 = arith.constant 0 : i32
    %c0_i32_0 = arith.constant 0 : i32
    return %arg0, %c0_i32 : i32, i32
  }
}

module attributes {stable_mosaic.version = 14 : i64} {
  func.func @_mlp2_body(%arg0: i32, %arg1: memref<1x64xf32, #tpu.memory_space<vmem>>, %arg2: memref<1024x64xf32, #tpu.memory_space<vmem>>, %arg3: memref<1024x64xf32, #tpu.memory_space<vmem>>, %arg4: memref<1024x64xf32, #tpu.memory_space<vmem>>, %arg5: memref<1x64xf32, #tpu.memory_space<vmem>>, %arg6: memref<64x64xf32, #tpu.memory_space<vmem>>, %arg7: memref<1x64xf32, #tpu.memory_space<vmem>>, %arg8: memref<64x64xf32, #tpu.memory_space<vmem>>, %arg9: memref<1024x64xf32, #tpu.memory_space<vmem>>, %arg10: memref<1024x64xf32, #tpu.memory_space<vmem>>) attributes {dimension_semantics = [#tpu.dimension_semantics<arbitrary>], iteration_bounds = array<i64: 10>, scalar_prefetch = 0 : i64, scratch_operands = 0 : i64, tpu.core_type = #tpu.core_type<tc>, window_params = [{pipeline_mode = #tpu.pipeline_mode<synchronous>, transform_indices = @transform_0, window_bounds = array<i64: 1, 64>}, {transform_indices = @transform_1, window_bounds = array<i64: 1024, 64>}, {transform_indices = @transform_2, window_bounds = array<i64: 1024, 64>}, {transform_indices = @transform_3, window_bounds = array<i64: 1024, 64>}, {pipeline_mode = #tpu.pipeline_mode<synchronous>, transform_indices = @transform_4, window_bounds = array<i64: 1, 64>}, {pipeline_mode = #tpu.pipeline_mode<synchronous>, transform_indices = @transform_5, window_bounds = array<i64: 64, 64>}, {pipeline_mode = #tpu.pipeline_mode<synchronous>, transform_indices = @transform_6, window_bounds = array<i64: 1, 64>}, {pipeline_mode = #tpu.pipeline_mode<synchronous>, transform_indices = @transform_7, window_bounds = array<i64: 64, 64>}, {transform_indices = @transform_8, window_bounds = array<i64: 1024, 64>}, {transform_indices = @transform_9, window_bounds = array<i64: 1024, 64>}]} {
    %get3A = arith.constant 0 : index
    %get3A_0 = arith.constant 0 : index
    %get3A_1 = vector.load %arg1[%get3A, %get3A_0] : memref<1x64xf32, #tpu.memory_space<vmem>>, vector<1x64xf32>
    %get3A_2 = arith.constant 0 : index
    %get3A_3 = arith.constant 0 : index
    %get3A_4 = vector.load %arg2[%get3A_2, %get3A_3] : memref<1024x64xf32, #tpu.memory_space<vmem>>, vector<1024x64xf32>
    %mul3A = vector.broadcast %get3A_1 : vector<1x64xf32> to vector<1024x64xf32>
    %mul3A_5 = arith.mulf %mul3A, %get3A_4 : vector<1024x64xf32>
    %get3A_6 = arith.constant 0 : index
    %get3A_7 = arith.constant 0 : index
    %get3A_8 = vector.load %arg3[%get3A_6, %get3A_7] : memref<1024x64xf32, #tpu.memory_space<vmem>>, vector<1024x64xf32>
    %add3A = arith.addf %mul3A_5, %get3A_8 : vector<1024x64xf32>
    %get3A_9 = arith.constant 0 : index
    %get3A_10 = arith.constant 0 : index
    %get3A_11 = vector.load %arg4[%get3A_9, %get3A_10] : memref<1024x64xf32, #tpu.memory_space<vmem>>, vector<1024x64xf32>
    %add3A_12 = arith.addf %add3A, %get3A_11 : vector<1024x64xf32>
    %get3A_13 = arith.constant 0 : index
    %get3A_14 = arith.constant 0 : index
    %get3A_15 = vector.load %arg5[%get3A_13, %get3A_14] : memref<1x64xf32, #tpu.memory_space<vmem>>, vector<1x64xf32>
    %add3A_16 = vector.broadcast %get3A_15 : vector<1x64xf32> to vector<1024x64xf32>
    %add3A_17 = arith.addf %add3A_12, %add3A_16 : vector<1024x64xf32>
    %max3A = arith.constant 0.000000e+00 : f32
    %max3A_18 = vector.broadcast %max3A : f32 to vector<1024x64xf32>
    %max3A_19 = arith.maximumf %add3A_17, %max3A_18 : vector<1024x64xf32>
    %get3A_20 = arith.constant 0 : index
    %get3A_21 = arith.constant 0 : index
    %get3A_22 = vector.load %arg6[%get3A_20, %get3A_21] : memref<64x64xf32, #tpu.memory_space<vmem>>, vector<64x64xf32>
    %dot_general3A = arith.constant dense<0.000000e+00> : vector<1024x64xf32>
    %dot_general3A_23 = tpu.matmul %max3A_19, %get3A_22, %dot_general3A {dimension_numbers = #tpu.dot_dimension_numbers<[1], [0], [0], [1], [0, 0, 1, 1], [], []>, transpose_lhs_hint = false} : vector<1024x64xf32>, vector<64x64xf32>, vector<1024x64xf32> -> vector<1024x64xf32>
    %get3A_24 = arith.constant 0 : index
    %get3A_25 = arith.constant 0 : index
    %get3A_26 = vector.load %arg7[%get3A_24, %get3A_25] : memref<1x64xf32, #tpu.memory_space<vmem>>, vector<1x64xf32>
    %add3A_27 = vector.broadcast %get3A_26 : vector<1x64xf32> to vector<1024x64xf32>
    %add3A_28 = arith.addf %dot_general3A_23, %add3A_27 : vector<1024x64xf32>
    %swap3A = arith.constant 0 : index
    %swap3A_29 = arith.constant 0 : index
    %swap3A_30 = vector.load %arg9[%swap3A, %swap3A_29] : memref<1024x64xf32, #tpu.memory_space<vmem>>, vector<1024x64xf32>
    tpu.vector_store %arg9[%swap3A, %swap3A_29], %add3A_28 {strides = array<i32>} : memref<1024x64xf32, #tpu.memory_space<vmem>>, vector<1024x64xf32>,
    %max3A_31 = arith.constant 0.000000e+00 : f32
    %max3A_32 = vector.broadcast %max3A_31 : f32 to vector<1024x64xf32>
    %max3A_33 = arith.maximumf %add3A_28, %max3A_32 : vector<1024x64xf32>
    %get3A_34 = arith.constant 0 : index
    %get3A_35 = arith.constant 0 : index
    %get3A_36 = vector.load %arg8[%get3A_34, %get3A_35] : memref<64x64xf32, #tpu.memory_space<vmem>>, vector<64x64xf32>
    %dot_general3A_37 = arith.constant dense<0.000000e+00> : vector<1024x64xf32>
    %dot_general3A_38 = tpu.matmul %max3A_33, %get3A_36, %dot_general3A_37 {dimension_numbers = #tpu.dot_dimension_numbers<[1], [0], [0], [1], [0, 0, 1, 1], [], []>, transpose_lhs_hint = false} : vector<1024x64xf32>, vector<64x64xf32>, vector<1024x64xf32> -> vector<1024x64xf32>
    %swap3A_39 = arith.constant 0 : index
    %swap3A_40 = arith.constant 0 : index
    %swap3A_41 = vector.load %arg10[%swap3A_39, %swap3A_40] : memref<1024x64xf32, #tpu.memory_space<vmem>>, vector<1024x64xf32>
    tpu.vector_store %arg10[%swap3A_39, %swap3A_40], %dot_general3A_38 {strides = array<i32>} : memref<1024x64xf32, #tpu.memory_space<vmem>>, vector<1024x64xf32>,
    return
  }
  func.func @transform_0(%arg0: i32) -> (i32, i32) {
    %c0_i32 = arith.constant 0 : i32
    %c0_i32_0 = arith.constant 0 : i32
    %c0_i32_1 = arith.constant 0 : i32
    return %c0_i32, %c0_i32_0 : i32, i32
  }
  func.func @transform_1(%arg0: i32) -> (i32, i32) {
    %c0_i32 = arith.constant 0 : i32
    %c0_i32_0 = arith.constant 0 : i32
    return %arg0, %c0_i32 : i32, i32
  }
  func.func @transform_2(%arg0: i32) -> (i32, i32) {
    %c0_i32 = arith.constant 0 : i32
    %c0_i32_0 = arith.constant 0 : i32
    return %arg0, %c0_i32 : i32, i32
  }
  func.func @transform_3(%arg0: i32) -> (i32, i32) {
    %c0_i32 = arith.constant 0 : i32
    %c0_i32_0 = arith.constant 0 : i32
    return %arg0, %c0_i32 : i32, i32
  }
  func.func @transform_4(%arg0: i32) -> (i32, i32) {
    %c0_i32 = arith.constant 0 : i32
    %c0_i32_0 = arith.constant 0 : i32
    %c0_i32_1 = arith.constant 0 : i32
    return %c0_i32, %c0_i32_0 : i32, i32
  }
  func.func @transform_5(%arg0: i32) -> (i32, i32) {
    %c0_i32 = arith.constant 0 : i32
    %c0_i32_0 = arith.constant 0 : i32
    %c0_i32_1 = arith.constant 0 : i32
    return %c0_i32, %c0_i32_0 : i32, i32
  }
  func.func @transform_6(%arg0: i32) -> (i32, i32) {
    %c0_i32 = arith.constant 0 : i32
    %c0_i32_0 = arith.constant 0 : i32
    %c0_i32_1 = arith.constant 0 : i32
    return %c0_i32, %c0_i32_0 : i32, i32
  }
  func.func @transform_7(%arg0: i32) -> (i32, i32) {
    %c0_i32 = arith.constant 0 : i32
    %c0_i32_0 = arith.constant 0 : i32
    %c0_i32_1 = arith.constant 0 : i32
    return %c0_i32, %c0_i32_0 : i32, i32
  }
  func.func @transform_8(%arg0: i32) -> (i32, i32) {
    %c0_i32 = arith.constant 0 : i32
    %c0_i32_0 = arith.constant 0 : i32
    return %arg0, %c0_i32 : i32, i32
  }
  func.func @transform_9(%arg0: i32) -> (i32, i32) {
    %c0_i32 = arith.constant 0 : i32
    %c0_i32_0 = arith.constant 0 : i32
    return %arg0, %c0_i32 : i32, i32
  }
}

module attributes {stable_mosaic.version = 14 : i64} {
  func.func @_mlp1_body(%arg0: i32, %arg1: memref<1x64xf32, #tpu.memory_space<vmem>>, %arg2: memref<1024x64xf32, #tpu.memory_space<vmem>>, %arg3: memref<1024x64xf32, #tpu.memory_space<vmem>>, %arg4: memref<1024x64xf32, #tpu.memory_space<vmem>>, %arg5: memref<1x64xf32, #tpu.memory_space<vmem>>, %arg6: memref<64x64xf32, #tpu.memory_space<vmem>>, %arg7: memref<1x64xf32, #tpu.memory_space<vmem>>, %arg8: memref<1024x64xf32, #tpu.memory_space<vmem>>) attributes {dimension_semantics = [#tpu.dimension_semantics<arbitrary>], iteration_bounds = array<i64: 10>, scalar_prefetch = 0 : i64, scratch_operands = 0 : i64, tpu.core_type = #tpu.core_type<tc>, window_params = [{pipeline_mode = #tpu.pipeline_mode<synchronous>, transform_indices = @transform_0, window_bounds = array<i64: 1, 64>}, {transform_indices = @transform_1, window_bounds = array<i64: 1024, 64>}, {transform_indices = @transform_2, window_bounds = array<i64: 1024, 64>}, {transform_indices = @transform_3, window_bounds = array<i64: 1024, 64>}, {pipeline_mode = #tpu.pipeline_mode<synchronous>, transform_indices = @transform_4, window_bounds = array<i64: 1, 64>}, {pipeline_mode = #tpu.pipeline_mode<synchronous>, transform_indices = @transform_5, window_bounds = array<i64: 64, 64>}, {pipeline_mode = #tpu.pipeline_mode<synchronous>, transform_indices = @transform_6, window_bounds = array<i64: 1, 64>}, {transform_indices = @transform_7, window_bounds = array<i64: 1024, 64>}]} {
    %get3A = arith.constant 0 : index
    %get3A_0 = arith.constant 0 : index
    %get3A_1 = vector.load %arg1[%get3A, %get3A_0] : memref<1x64xf32, #tpu.memory_space<vmem>>, vector<1x64xf32>
    %get3A_2 = arith.constant 0 : index
    %get3A_3 = arith.constant 0 : index
    %get3A_4 = vector.load %arg2[%get3A_2, %get3A_3] : memref<1024x64xf32, #tpu.memory_space<vmem>>, vector<1024x64xf32>
    %mul3A = vector.broadcast %get3A_1 : vector<1x64xf32> to vector<1024x64xf32>
    %mul3A_5 = arith.mulf %mul3A, %get3A_4 : vector<1024x64xf32>
    %get3A_6 = arith.constant 0 : index
    %get3A_7 = arith.constant 0 : index
    %get3A_8 = vector.load %arg3[%get3A_6, %get3A_7] : memref<1024x64xf32, #tpu.memory_space<vmem>>, vector<1024x64xf32>
    %add3A = arith.addf %mul3A_5, %get3A_8 : vector<1024x64xf32>
    %get3A_9 = arith.constant 0 : index
    %get3A_10 = arith.constant 0 : index
    %get3A_11 = vector.load %arg4[%get3A_9, %get3A_10] : memref<1024x64xf32, #tpu.memory_space<vmem>>, vector<1024x64xf32>
    %add3A_12 = arith.addf %add3A, %get3A_11 : vector<1024x64xf32>
    %get3A_13 = arith.constant 0 : index
    %get3A_14 = arith.constant 0 : index
    %get3A_15 = vector.load %arg5[%get3A_13, %get3A_14] : memref<1x64xf32, #tpu.memory_space<vmem>>, vector<1x64xf32>
    %add3A_16 = vector.broadcast %get3A_15 : vector<1x64xf32> to vector<1024x64xf32>
    %add3A_17 = arith.addf %add3A_12, %add3A_16 : vector<1024x64xf32>
    %max3A = arith.constant 0.000000e+00 : f32
    %max3A_18 = vector.broadcast %max3A : f32 to vector<1024x64xf32>
    %max3A_19 = arith.maximumf %add3A_17, %max3A_18 : vector<1024x64xf32>
    %get3A_20 = arith.constant 0 : index
    %get3A_21 = arith.constant 0 : index
    %get3A_22 = vector.load %arg6[%get3A_20, %get3A_21] : memref<64x64xf32, #tpu.memory_space<vmem>>, vector<64x64xf32>
    %dot_general3A = arith.constant dense<0.000000e+00> : vector<1024x64xf32>
    %dot_general3A_23 = tpu.matmul %max3A_19, %get3A_22, %dot_general3A {dimension_numbers = #tpu.dot_dimension_numbers<[1], [0], [0], [1], [0, 0, 1, 1], [], []>, transpose_lhs_hint = false} : vector<1024x64xf32>, vector<64x64xf32>, vector<1024x64xf32> -> vector<1024x64xf32>
    %get3A_24 = arith.constant 0 : index
    %get3A_25 = arith.constant 0 : index
    %get3A_26 = vector.load %arg7[%get3A_24, %get3A_25] : memref<1x64xf32, #tpu.memory_space<vmem>>, vector<1x64xf32>
    %add3A_27 = vector.broadcast %get3A_26 : vector<1x64xf32> to vector<1024x64xf32>
    %add3A_28 = arith.addf %dot_general3A_23, %add3A_27 : vector<1024x64xf32>
    %swap3A = arith.constant 0 : index
    %swap3A_29 = arith.constant 0 : index
    %swap3A_30 = vector.load %arg8[%swap3A, %swap3A_29] : memref<1024x64xf32, #tpu.memory_space<vmem>>, vector<1024x64xf32>
    tpu.vector_store %arg8[%swap3A, %swap3A_29], %add3A_28 {strides = array<i32>} : memref<1024x64xf32, #tpu.memory_space<vmem>>, vector<1024x64xf32>,
    return
  }
  func.func @transform_0(%arg0: i32) -> (i32, i32) {
    %c0_i32 = arith.constant 0 : i32
    %c0_i32_0 = arith.constant 0 : i32
    %c0_i32_1 = arith.constant 0 : i32
    return %c0_i32, %c0_i32_0 : i32, i32
  }
  func.func @transform_1(%arg0: i32) -> (i32, i32) {
    %c0_i32 = arith.constant 0 : i32
    %c0_i32_0 = arith.constant 0 : i32
    return %arg0, %c0_i32 : i32, i32
  }
  func.func @transform_2(%arg0: i32) -> (i32, i32) {
    %c0_i32 = arith.constant 0 : i32
    %c0_i32_0 = arith.constant 0 : i32
    return %arg0, %c0_i32 : i32, i32
  }
  func.func @transform_3(%arg0: i32) -> (i32, i32) {
    %c0_i32 = arith.constant 0 : i32
    %c0_i32_0 = arith.constant 0 : i32
    return %arg0, %c0_i32 : i32, i32
  }
  func.func @transform_4(%arg0: i32) -> (i32, i32) {
    %c0_i32 = arith.constant 0 : i32
    %c0_i32_0 = arith.constant 0 : i32
    %c0_i32_1 = arith.constant 0 : i32
    return %c0_i32, %c0_i32_0 : i32, i32
  }
  func.func @transform_5(%arg0: i32) -> (i32, i32) {
    %c0_i32 = arith.constant 0 : i32
    %c0_i32_0 = arith.constant 0 : i32
    %c0_i32_1 = arith.constant 0 : i32
    return %c0_i32, %c0_i32_0 : i32, i32
  }
  func.func @transform_6(%arg0: i32) -> (i32, i32) {
    %c0_i32 = arith.constant 0 : i32
    %c0_i32_0 = arith.constant 0 : i32
    %c0_i32_1 = arith.constant 0 : i32
    return %c0_i32, %c0_i32_0 : i32, i32
  }
  func.func @transform_7(%arg0: i32) -> (i32, i32) {
    %c0_i32 = arith.constant 0 : i32
    %c0_i32_0 = arith.constant 0 : i32
    return %arg0, %c0_i32 : i32, i32
  }
}

</mosaic_0001>

<sc_bundles>
// kernel: kernel.10.cloned.1.call-start
scs
__scs_entry_jumppad:
0x0: {  	(pc) =	sbr.rel $0x88, $3  }
0x1: {  	(tag) =	ssettag $0x0;
	lr =	simm.s32 $0x1  }
0x2: {  	[smem:$0x3F95] =	sst lr;
	_ =	strace $0xD0000000  }
0x3: {  	_ = 	snop  }
0x4: {  	_ = 	snop  }
0x5: {  	_ = 	snop  }
0x6: {  	_ = 	snop  }
0x7: {  	_ = 	snop  }
__scs_overlays_trampoline_lowered:
0x8: {  	[smem:$0x3FA4] =	sst s0  }
0x9: {  	[smem:$0x3FA5] =	sst s1  }
0xa: {  	[smem:$0x3FA6] =	sst s2  }
0xb: {  	[smem:$0x3FA7] =	sst s3  }
0xc: {  	[smem:$0x3FA8] =	sst s4  }
0xd: {  	[smem:$0x3FA9] =	sst s5  }
0xe: {  	[smem:$0x3FAA] =	sst s6  }
0xf: {  	[smem:$0x3FAB] =	sst s7  }
0x10: {  	[smem:$0x3FAC] =	sst s8  }
0x11: {  	[smem:$0x3FAD] =	sst s9;
	s0 =	simm.s32 @!p0 $0x0  }
0x12: {  	s1 =	sld [smem:$0x3F93];
	s0 =	simm.s32 @p0 $0x1  }
0x13: {  	[smem:$0x3FAE] =	sst s0;
	s0 =	simm.s32 @!p1 $0x0  }
0x14: {  	s2 =	sld [smem:$0x3F92];
	s0 =	simm.s32 @p1 $0x1  }
0x15: {  	[smem:$0x3FAF] =	sst s0;
	s0 =	simm.s32 @!p2 $0x0  }
0x16: {  	s3 =	sld [smem:$0x3FDB];
	s0 =	simm.s32 @p2 $0x1  }
0x17: {  	s4 =	simm.s32 $0x1BF5;
	[smem:$0x3FB1] =	sst s0  }
0x18: {  	s0 =	sld [smem:$0x3F94];
	_ =	swait.ge [sflag:s4], $0x0  }
0x19: {  	s7 =	sld [smem:$0x3F95]  }
0x1a: {  	s8 =	sadd.s32 $0xFFFFE003, lr  }
0x1b: {  	s9 =	sadd.s32 $0xFFFFFEF7, lr;
	s5 =	simm.s32 $0xFFFFFFFF;
	p2 =	slt.u32 s8, $0xFFFFF086  }
0x1c: {  	p1 =	slt.u32 s9, $0xF7A;
	s5 =	simm.s32 @!p2 $0x0  }
0x1d: {  	s5 =	simm.s32 @p1 $0x1;
	p0 =	seq.s32 s7, s2  }
0x1e: {  	s7 =	smul.u32 @!p0 $0xF7A, s2;
	p2 =	seq.s32 @!p0 s5, $0x0  }
0x1f: {  	s9 =	smul.u32 $0xF7A, s1;
	s8 =	simm.s32 @!p0 $0x1BF5;
	p2 =	por !p2, p0  }
0x20: {  	[sflag:s8] =	ssyncset.s32 @!p0 $0xFFFFF086;
	s6 =	sadd.s32 @!p0 s3, s7;
	s7 =	simm.s32 @!p0 $0x108  }
0x21: {  	s3 =	sadd.s32 s3, s9;
	s6 =	sadd.s32 @!p0 $0x88, s6;
	s7 =	simm.s32 @p2 $0x1082  }
0x22: {  	[simem:s7], [sflag:s8] =	dma.local @!p0 [hbm:s6], $0xF7A  }
0x23: {  	s9 =	sor.u32 $0xD0000000, s2;
	s6 =	simm.s32 $0x108;
	_ =	swait.ge @!p0 [sflag:s8], $0x0  }
0x24: {  	s3 =	sadd.s32 $0x88, s3;
	s6 =	simm.s32 @!p1 $0x1082;
	[sflag:s4] =	ssyncset.s32 $0xFFFFF086  }
0x25: {  	[simem:s6], [sflag:s4] =	dma.local [hbm:s3], $0xF7A  }
0x26: {  	[smem:$0x3F95] =	sst s1;
	(tag) =	ssettag s2;
	_ =	strace s9  }
0x27: {  	s1 =	sld [smem:$0x3FA5]  }
0x28: {  	s2 =	sld [smem:$0x3FA6]  }
0x29: {  	s4 =	sld [smem:$0x3FA8]  }
0x2a: {  	p0 =	seq.s32 s5, $0x0;
	s5 =	sld [smem:$0x3FA9]  }
0x2b: {  	s6 =	sld [smem:$0x3FAA]  }
0x2c: {  	s7 =	sld [smem:$0x3FAB]  }
0x2d: {  	s3 =	simm.s32 $0x108;
	s8 =	sld [smem:$0x3FAC]  }
0x2e: {  	s3 =	simm.s32 @!p0 $0x1082;
	s9 =	sld [smem:$0x3FAD]  }
0x2f: {  	lr =	sadd.s32 s0, s3;
	s0 =	sld [smem:$0x3FA4]  }
0x30: {  	s3 =	sld [smem:$0x3FA7]  }
0x31: {  	[smem:$0x3FB0] =	sst s10  }
0x32: {  	s10 =	sld [smem:$0x3FAE];
	_ =	sdelay $0x3  }
0x33: {  	p0 =	seq.s32 s10, $0x1;
	s10 =	sld [smem:$0x3FB0];
	_ =	sdelay $0x3  }
0x34: {  	[smem:$0x3FB0] =	sst s10  }
0x35: {  	s10 =	sld [smem:$0x3FAF];
	_ =	sdelay $0x3  }
0x36: {  	p1 =	seq.s32 s10, $0x1;
	s10 =	sld [smem:$0x3FB0];
	_ =	sdelay $0x3  }
0x37: {  	[smem:$0x3FB0] =	sst s10  }
0x38: {  	s10 =	sld [smem:$0x3FB1]  }
0x39: {  	_ = 	snop;
	(pc) =	sbr.ind lr, $3  }
0x3a: {  	_ = 	snop  }
0x3b: {  	_ = 	snop  }
0x3c: {  	p2 =	seq.s32 s10, $0x1;
	s10 =	sld [smem:$0x3FB0]  }
0x3d: {  	_ =	shalt  }
0x3e: {  	_ =	shalt  }
0x3f: {  	_ =	shalt  }
0x40: {  	_ =	shalt  }
0x41: {  	_ =	shalt  }
0x42: {  	_ =	shalt  }
0x43: {  	_ =	shalt  }
0x44: {  	_ =	shalt  }
0x45: {  	_ =	shalt  }
0x46: {  	_ =	shalt  }
0x47: {  	_ =	shalt  }
0x48: {  	_ =	shalt  }
0x49: {  	_ =	shalt  }
0x4a: {  	_ =	shalt  }
0x4b: {  	_ =	shalt  }
0x4c: {  	_ =	shalt  }
0x4d: {  	_ =	shalt  }
0x4e: {  	_ =	shalt  }
0x4f: {  	_ =	shalt  }
0x50: {  	_ =	shalt  }
0x51: {  	_ =	shalt  }
0x52: {  	_ =	shalt  }
0x53: {  	_ =	shalt  }
0x54: {  	_ =	shalt  }
0x55: {  	_ =	shalt  }
0x56: {  	_ =	shalt  }
0x57: {  	_ =	shalt  }
0x58: {  	_ =	shalt  }
0x59: {  	_ =	shalt  }
0x5a: {  	_ =	shalt  }
0x5b: {  	_ =	shalt  }
0x5c: {  	_ =	shalt  }
0x5d: {  	_ =	shalt  }
0x5e: {  	_ =	shalt  }
0x5f: {  	_ =	shalt  }
0x60: {  	_ =	shalt  }
0x61: {  	_ =	shalt  }
0x62: {  	_ =	shalt  }
0x63: {  	_ =	shalt  }
0x64: {  	_ =	shalt  }
0x65: {  	_ =	shalt  }
0x66: {  	_ =	shalt  }
0x67: {  	_ =	shalt  }
0x68: {  	_ =	shalt  }
0x69: {  	_ =	shalt  }
0x6a: {  	_ =	shalt  }
0x6b: {  	_ =	shalt  }
0x6c: {  	_ =	shalt  }
0x6d: {  	_ =	shalt  }
0x6e: {  	_ =	shalt  }
0x6f: {  	_ =	shalt  }
0x70: {  	_ =	shalt  }
0x71: {  	_ =	shalt  }
0x72: {  	_ =	shalt  }
0x73: {  	_ =	shalt  }
0x74: {  	_ =	shalt  }
0x75: {  	_ =	shalt  }
0x76: {  	_ =	shalt  }
0x77: {  	_ =	shalt  }
0x78: {  	_ =	shalt  }
0x79: {  	_ =	shalt  }
0x7a: {  	_ =	shalt  }
0x7b: {  	_ =	shalt  }
0x7c: {  	_ =	shalt  }
0x7d: {  	_ =	shalt  }
0x7e: {  	_ =	shalt  }
0x7f: {  	_ =	shalt  }
0x80: {  	_ =	shalt  }
0x81: {  	_ =	shalt  }
0x82: {  	_ =	shalt  }
0x83: {  	_ =	shalt  }
0x84: {  	_ =	shalt  }
0x85: {  	_ =	shalt  }
0x86: {  	_ =	shalt  }
0x87: {  	_ =	shalt  }
.Lfunc_end0:
.L_simem_size_0:
called_computation.1_lowered:
.L_overlay_start_0:
0x88: {  	s2 =	sld [smem:$0x3FD9]  }
0x89: {  	s3 =	sld [smem:$0x3FFE];
	_ =	sdelay $0x1  }
0x8a: {  	s1 =	srdreg.scid  }
0x8b: {  	s0 =	sand.u32 $0x1, s1  }
0x8c: {  	s14 =	sshll.u32 s0, $0xA;
	s2 =	sadd.s32 s3, s2  }
0x8d: {  	s2 =	sadd.s32 s2, s14  }
0x8e: {  	[smem:$0x3FBC] =	sst s2  }
0x8f: {  	_ = 	snop  }
0x90: {  	s2 =	sld [smem:$0x3FD0];
	_ =	sdelay $0x2  }
0x91: {  	s15 =	simm.s32 $0xA;
	s4 =	simm.s32 $0x10  }
0x92: {  	[smem:s4], [sflag:s15] =	dma.local [hbm:s2], $0x1  }
0x93: {  	_ =	swait.eq [sflag:s15], $0x1  }
0x94: {  	[sflag:s15] =	ssyncset.done $0x0  }
0x95: {  	[sflag:s15] =	ssyncadd.s32 $0xFFFFFFFF  }
0x96: {  	s16 =	sld [smem:$0x10];
	(tm) =	ssettm $0x1  }
0x97: {  	s17 =	sld [smem:$0x3FFB];
	_ =	sdelay $0x3  }
0x98: {  	_ =	strace s17  }
0x99: {  	s3 =	sld [smem:$0x3FFC];
	_ =	sdelay $0x3  }
0x9a: {  	_ =	strace s3  }
0x9b: {  	s3 =	sld [smem:$0x3FFD];
	_ =	sdelay $0x3  }
0x9c: {  	_ =	strace s3  }
0x9d: {  	_ =	strace $0x8FFFFFFF  }
0x9e: {  	s18 =	sld [smem:$0x3FDB];
	_ =	sdelay $0x1  }
0x9f: {  	s19 =	simm.s32 $_scs_section_size  }
0xa0: {  	s5 =	simm.s32 $_size__tile_overlayer_lowered;
	s6 =	simm.s32 $_tile_overlayer_lowered  }
0xa1: {  	s22 =	simm.s32 $0x1BFF;
	s21 =	sshll.u32 s6, $0x1;
	s3 =	sadd.s32 s19, s18  }
0xa2: {  	s7 =	simm.s32 $0x0;
	s20 =	sshll.u32 s5, $0x1;
	s5 =	sadd.s32 s21, s3  }
0xa3: {  	[timem:s7], [sflag:s22] =	dma.local [hbm:s5], s20  }
0xa4: {  	_ =	swait.ge [sflag:s22], s20  }
0xa5: {  	s4 =	ssub.s32 $0x0, s20;
	[sflag:s22] =	ssyncset.done $0x0  }
0xa6: {  	[sflag:s22] =	ssyncadd.s32 s4;
	_ =	sdelay $0x1  }
0xa7: {  	s23 =	simm.s32 $0x1B8B  }
0xa8: {  	_ =	swait.ge [sflag:s23], $0x1  }
0xa9: {  	[sflag:s23] =	ssyncset.done $0x0  }
0xaa: {  	s25 =	simm.s32 $0x1B8E;
	s24 =	sld [smem:$0x3FFE];
	[sflag:s23] =	ssyncadd.s32 $0xFFFFFFFF  }
0xab: {  	s26 =	simm.s32 $execute0_lowered;
	[smem:$0x3FD2] =	sst s25  }
0xac: {  	s5 =	sshll.u32 s26, $0x1;
	_ =	strace $0x80000049;
	[dreg:$0x1] =	wrdreg $0xFFFFFFFF  }
0xad: {  	s28 =	simm.s32 $_size_execute0_lowered;
	s3 =	sadd.s32 s3, s5;
	[dreg:$0x0] =	wrdreg $0x0  }
0xae: {  	s5 =	sshll.u32 s28, $0x1;
	[dreg:$0x2] =	wrdreg s3  }
0xaf: {  	[dreg:$0x3] =	wrdreg s5  }
0xb0: {  	[dreg:$0x4] =	wrdreg $0xC0  }
0xb1: {  	_ =	task [dreg:s7], $0x5FFFF  }
0xb2: {  	[dreg:$0x1] =	wrdreg $0xFFFFFFFF  }
0xb3: {  	[dreg:$0x0] =	wrdreg $0x60  }
0xb4: {  	[dreg:$0x2] =	wrdreg s24  }
0xb5: {  	[dreg:$0x3] =	wrdreg s16  }
0xb6: {  	[dreg:$0x4] =	wrdreg $0x6F000  }
0xb7: {  	[dreg:$0x5] =	wrdreg $0x9  }
0xb8: {  	_ =	task.clear_ibuf [dreg:s7], $0x6FFFF;
	_ =	strace $0x90000049  }
0xb9: {  	s29 =	simm.s32 $0x9;
	_ =	strace $0x8000004B  }
0xba: {  	_ =	swait.ge [sflag:s29], $0x1  }
0xbb: {  	[sflag:s29] =	ssyncadd.s32 $0xFFFFFFFF  }
0xbc: {  	_ =	strace $0x9000004B  }
0xbd: {  	_ =	sfence  }
0xbe: {  	s30 =	sld [smem:$0x0];
	_ =	sdelay $0x2  }
0xbf: {  	s31 =	sshll.u32 s1, $0xD;
	s1 =	sshrl.u32 s1, $0x2  }
0xc0: {  	s3 =	sand.u32 $0x4000, s31;
	s1 =	sadd.s32 s1, s30  }
0xc1: {  	s0 =	sor.u32 s3, s0;
	s1 =	sshll.u32 s1, $0x11  }
0xc2: {  	s0 =	sor.u32 s1, s0  }
0xc3: {  	s0 =	sadd.s32 $0x8F2B, s0  }
0xc4: {  	[sflag:s0] =	ssyncadd.remote.s32 $0x1  }
0xc5: {  	_ =	sfence.sel $0xFFFF  }
0xc6: {  	[dreg:$0x0] =	wrdreg $0xFFFFFFFF;
	(pc) =	sbr.abs _section_cstart, $3  }
0xc7: {  	[dreg:$0x1] =	wrdreg $0xFFFFFFFF  }
0xc8: {  	_ =	task.clear_ibuf [dreg:s7], $0x2FFFF;
	_ =	strace $0x9FFFFFFF  }
0xc9: {  	(tm) =	ssettm $0x7FFFFFFF  }
tec
execute0_lowered:
.L_overlay_start_1:
0x0: {  	(tag) =	ssettag $0x1  }
0x1: {  	s5 =	rddreg [dreg:$0x0]  }
0x2: {  	s6 =	rddreg [dreg:$0x1]  }
0x3: {  	s2 =	rddreg [dreg:$0x2]  }
0x4: {  	s0 =	rddreg [dreg:$0x3]  }
0x5: {  	s3 =	simm.s32 $0x0;
	s1 =	stileid.u32;
	s4 =	srdreg.scid  }
0x6: {  	s13 =	simm.s32 $0x4F00;
	s14 =	simm.s32 $0x1;
	s15 =	simm.s32 $0x0  }
0x7: {  	[smem:$0x7FF] =	sst s3;
	s7 =	smul.u32 $0xA000, s1;
	s8 =	sand.u32 $0x1, s4  }
0x8: {  	s10 =	sshll.u32 s1, $0x1;
	s4 =	sadd.s32 $0x1600, s5;
	s31 =	sshll.u32 s1, $0x6  }
0x9: {  	_ =	strace $0x8000004A;
	s9 =	smul.u32 $0xA0000, s8;
	s10 =	sor.u32 s8, s10  }
0xa: {  	s8 =	ssub.s32 $0x2, s8;
	s11 =	sshrl.u32 s7, $0x3;
	s10 =	smul.u32 $0x9E0, s10  }
0xb: {  	s12 =	sshrl.u32 s8, $0x1;
	s30 =	sadd.s32 s7, s2;
	s9 =	sadd.s32 s7, s9  }
0xc: {  	s11 =	sadd.s32 s11, s5;
	s8 =	ssub.s32 s8, s12;
	s9 =	sshrl.u32 s9, $0x3  }
0xd: {  	s12 =	simm.s32 $0x80;
	s8 =	smax.u32 s8, $0x1;
	s9 =	sadd.s32 s9, s5  }
0xe: {  	s5 =	sadd.s32 s6, s10;
	s6 =	sadd.s32 $0x15600, s11;
	s10 =	sor.u32 $0x1C02, s31  }
0xf: {  	s11 =	sshrl.u32 s30, $0x3;
	s7 =	sadd.s32 $0x29600, s9;
	s9 =	simm.s32 $0x2  }
.LBB2_1:
0x10: {  	[tilespmem:s3], [sflag:$0x2] =	stream.linear.gather [hbm4b:s5+s3], $0x4F00, $0x38;
	[tilespmem:$0x10F00] =	vst v63  }
0x11: {  	_ =	swait.ge [sflag:s9], $0x4F00  }
0x12: {  	[sflag:s9] =	ssyncset.done $0x0  }
0x13: {  	[sflag:s9] =	ssyncadd.s32 $0xFFFFB100  }
0x14: {  	[spmem:s11], [sflag:s10] =	dma.local [hbm:s6], $0x1400  }
0x15: {  	_ =	swait.ge [sflag:s9], $0x1400  }
0x16: {  	[sflag:s9] =	ssyncset.done $0x0  }
0x17: {  	[sflag:s9] =	ssyncadd.s32 $0xFFFFEC00  }
0x18: {  	s16 =	simm.s32 $0x0;
	[bflag:$0x0] =	sbarrier.arrive $0xFFFF  }
0x19: {  	[tilespmem:s13], [sflag:$0x1] =	stream.indirect.gather [hbm4b:s4+s12], $0x40, s16, s12, $0xb8;
	[tilespmem:$0x10F00] =	vst v63  }
0x1a: {  	_ =	swait.ge [sflag:s14], $0x2000  }
0x1b: {  	[sflag:s14] =	ssyncset.done $0x0  }
0x1c: {  	s31 =	simm.s32 $0x80;
	[sflag:s14] =	ssyncadd.s32 $0xFFFFE000  }
0x1d: {  	[spmem:s2] =	stream.indirect.scatter.add.f32 [tilespmem:s13], [sflag:$0x2], $0x40, s31, s12, $0xb8;
	[tilespmem:$0x10F00] =	vst v63  }
0x1e: {  	_ =	swait.ge [sflag:s9], $0x2000  }
0x1f: {  	s17 =	simm.s32 $0x800;
	s16 =	simm.s32 $0x400;
	[sflag:s9] =	ssyncset.done $0x0  }
.LBB2_2:
0x20: {  	s18 =	sshra.s32 s16, $0x2  }
0x21: {  	[sflag:s9] =	ssyncadd.s32 $0xFFFFE000;
	s16 =	smov.u32 s17;
	s19 =	sadd.s32 $0x400, s17  }
0x22: {  	[tilespmem:s13], [sflag:$0x1] =	stream.indirect.gather [hbm4b:s4+s12], $0x40, s18, s12, $0xb8;
	[tilespmem:$0x10F00] =	vst v63  }
0x23: {  	p0 =	sne.s32 s17, $0x13800;
	_ =	swait.ge [sflag:s14], $0x2000  }
.Ltmp0:
0x24: {  	[sflag:s14] =	ssyncset.done $0x0;
	(pc) =	sbr.rel @p0 .LBB2_2-.Ltmp0, $4  }
0x25: {  	s17 =	sadd.s32 $0x80, s18;
	[sflag:s14] =	ssyncadd.s32 $0xFFFFE000  }
0x26: {  	[spmem:s2] =	stream.indirect.scatter.add.f32 [tilespmem:s13], [sflag:$0x2], $0x40, s17, s12, $0xb8;
	[tilespmem:$0x10F00] =	vst v63  }
0x27: {  	_ =	swait.ge [sflag:s9], $0x2000  }
0x28: {  	s17 =	smov.u32 s19;
	[sflag:s9] =	ssyncset.done $0x0  }
0x29: {  	s16 =	sshra.s32 s16, $0x2;
	[sflag:s9] =	ssyncadd.s32 $0xFFFFE000  }
0x2a: {  	[tilespmem:s13], [sflag:$0x1] =	stream.indirect.gather [hbm4b:s4+s12], $0x40, s16, s12, $0xb8;
	[tilespmem:$0x10F00] =	vst v63  }
0x2b: {  	_ =	swait.ge [sflag:s14], $0x2000  }
0x2c: {  	[sflag:s14] =	ssyncset.done $0x0  }
0x2d: {  	s16 =	sadd.s32 $0x80, s16;
	[sflag:s14] =	ssyncadd.s32 $0xFFFFE000  }
0x2e: {  	[spmem:s2] =	stream.indirect.scatter.add.f32 [tilespmem:s13], [sflag:$0x2], $0x40, s16, s12, $0xb8;
	[tilespmem:$0x10F00] =	vst v63  }
0x2f: {  	_ =	swait.ge [sflag:s9], $0x2000  }
0x30: {  	s15 =	sadd.s32 $0x1, s15;
	[sflag:s9] =	ssyncset.done $0x0  }
0x31: {  	p0 =	sne.s32 s15, s8;
	[sflag:s9] =	ssyncadd.s32 $0xFFFFE000  }
.Ltmp1:
0x32: {  	[bflag:$0x0] =	sbarrier.arrive $0xFFFF;
	(pc) =	sbr.rel @p0 .LBB2_1-.Ltmp1, $4  }
0x33: {  	[hbm:s7], [sflag:s10] =	dma.local [spmem:s11], $0x1400  }
0x34: {  	_ =	swait.ge [sflag:s9], $0x1400  }
0x35: {  	[sflag:s9] =	ssyncset.done $0x0  }
0x36: {  	[sflag:s9] =	ssyncadd.s32 $0xFFFFEC00  }
0x37: {  	_ =	sfence.sel $0x180000  }
0x38: {  	[bflag:$0x0] =	sbarrier.arrive $0xFFFF  }
0x39: {  	p0 =	sne.s32 s1, $0x0;
	_ =	strace $0x9000004A  }
0x3a: {  	s0 =	sadd.s32 @!p0 $0x100000, s0;
	[bflag:$0x2] =	sbarrier.arrive $0xFFFF  }
0x3b: {  	[sflag:s0] =	ssyncadd.tile.s32 @!p0 $0x1;
	_ =	shalt  }
.Lfunc_end2:
_tile_overlayer_lowered:
.L_overlay_start_2:
0x3c: {  	(tag) =	ssettag $0x2  }
0x3d: {  	s0 =	rddreg [dreg:$0x0];
	s2 =	stileid.u32  }
0x3e: {  	s1 =	rddreg [dreg:$0x1];
	p0 =	sne.s32 s2, $0x0  }
0x3f: {  	s3 =	rddreg [dreg:$0x2];
	[bflag:$0x3] =	sbarrier.arrive $0xFFFF;
	s2 =	simm.s32 @!p0 $0x1C02  }
0x40: {  	[timem:s3], [sflag:s2] =	dma.local @!p0 [hbm:s0], s1  }
0x41: {  	s0 =	simm.s32 @!p0 $0x2  }
0x42: {  	_ =	swait.ge @!p0 [sflag:s0], s1  }
0x43: {  	s1 =	ssub.s32 @!p0 $0x0, s1;
	[sflag:s0] =	ssyncset.done @!p0 $0x0  }
0x44: {  	[sflag:s0] =	ssyncadd.s32 @!p0 s1  }
0x45: {  	[bflag:$0x3] =	sbarrier.arrive $0xFFFF  }
0x46: {  	_ =	shalt  }

// kernel: kernel.7.cloned.1.call-start
scs
__scs_entry_jumppad:
0x0: {  	(pc) =	sbr.rel $0x88, $3  }
0x1: {  	(tag) =	ssettag $0x0;
	lr =	simm.s32 $0x1  }
0x2: {  	[smem:$0x3F95] =	sst lr;
	_ =	strace $0xD0000000  }
0x3: {  	_ = 	snop  }
0x4: {  	_ = 	snop  }
0x5: {  	_ = 	snop  }
0x6: {  	_ = 	snop  }
0x7: {  	_ = 	snop  }
__scs_overlays_trampoline_lowered:
0x8: {  	[smem:$0x3FA4] =	sst s0  }
0x9: {  	[smem:$0x3FA5] =	sst s1  }
0xa: {  	[smem:$0x3FA6] =	sst s2  }
0xb: {  	[smem:$0x3FA7] =	sst s3  }
0xc: {  	[smem:$0x3FA8] =	sst s4  }
0xd: {  	[smem:$0x3FA9] =	sst s5  }
0xe: {  	[smem:$0x3FAA] =	sst s6  }
0xf: {  	[smem:$0x3FAB] =	sst s7  }
0x10: {  	[smem:$0x3FAC] =	sst s8  }
0x11: {  	[smem:$0x3FAD] =	sst s9;
	s0 =	simm.s32 @!p0 $0x0  }
0x12: {  	s1 =	sld [smem:$0x3F93];
	s0 =	simm.s32 @p0 $0x1  }
0x13: {  	[smem:$0x3FAE] =	sst s0;
	s0 =	simm.s32 @!p1 $0x0  }
0x14: {  	s2 =	sld [smem:$0x3F92];
	s0 =	simm.s32 @p1 $0x1  }
0x15: {  	[smem:$0x3FAF] =	sst s0;
	s0 =	simm.s32 @!p2 $0x0  }
0x16: {  	s3 =	sld [smem:$0x3FDB];
	s0 =	simm.s32 @p2 $0x1  }
0x17: {  	s4 =	simm.s32 $0x1BF5;
	[smem:$0x3FB1] =	sst s0  }
0x18: {  	s0 =	sld [smem:$0x3F94];
	_ =	swait.ge [sflag:s4], $0x0  }
0x19: {  	s7 =	sld [smem:$0x3F95]  }
0x1a: {  	s8 =	sadd.s32 $0xFFFFE003, lr  }
0x1b: {  	s9 =	sadd.s32 $0xFFFFFEF7, lr;
	s5 =	simm.s32 $0xFFFFFFFF;
	p2 =	slt.u32 s8, $0xFFFFF086  }
0x1c: {  	p1 =	slt.u32 s9, $0xF7A;
	s5 =	simm.s32 @!p2 $0x0  }
0x1d: {  	s5 =	simm.s32 @p1 $0x1;
	p0 =	seq.s32 s7, s2  }
0x1e: {  	s7 =	smul.u32 @!p0 $0xF7A, s2;
	p2 =	seq.s32 @!p0 s5, $0x0  }
0x1f: {  	s9 =	smul.u32 $0xF7A, s1;
	s8 =	simm.s32 @!p0 $0x1BF5;
	p2 =	por !p2, p0  }
0x20: {  	[sflag:s8] =	ssyncset.s32 @!p0 $0xFFFFF086;
	s6 =	sadd.s32 @!p0 s3, s7;
	s7 =	simm.s32 @!p0 $0x108  }
0x21: {  	s3 =	sadd.s32 s3, s9;
	s6 =	sadd.s32 @!p0 $0x88, s6;
	s7 =	simm.s32 @p2 $0x1082  }
0x22: {  	[simem:s7], [sflag:s8] =	dma.local @!p0 [hbm:s6], $0xF7A  }
0x23: {  	s9 =	sor.u32 $0xD0000000, s2;
	s6 =	simm.s32 $0x108;
	_ =	swait.ge @!p0 [sflag:s8], $0x0  }
0x24: {  	s3 =	sadd.s32 $0x88, s3;
	s6 =	simm.s32 @!p1 $0x1082;
	[sflag:s4] =	ssyncset.s32 $0xFFFFF086  }
0x25: {  	[simem:s6], [sflag:s4] =	dma.local [hbm:s3], $0xF7A  }
0x26: {  	[smem:$0x3F95] =	sst s1;
	(tag) =	ssettag s2;
	_ =	strace s9  }
0x27: {  	s1 =	sld [smem:$0x3FA5]  }
0x28: {  	s2 =	sld [smem:$0x3FA6]  }
0x29: {  	s4 =	sld [smem:$0x3FA8]  }
0x2a: {  	p0 =	seq.s32 s5, $0x0;
	s5 =	sld [smem:$0x3FA9]  }
0x2b: {  	s6 =	sld [smem:$0x3FAA]  }
0x2c: {  	s7 =	sld [smem:$0x3FAB]  }
0x2d: {  	s3 =	simm.s32 $0x108;
	s8 =	sld [smem:$0x3FAC]  }
0x2e: {  	s3 =	simm.s32 @!p0 $0x1082;
	s9 =	sld [smem:$0x3FAD]  }
0x2f: {  	lr =	sadd.s32 s0, s3;
	s0 =	sld [smem:$0x3FA4]  }
0x30: {  	s3 =	sld [smem:$0x3FA7]  }
0x31: {  	[smem:$0x3FB0] =	sst s10  }
0x32: {  	s10 =	sld [smem:$0x3FAE];
	_ =	sdelay $0x3  }
0x33: {  	p0 =	seq.s32 s10, $0x1;
	s10 =	sld [smem:$0x3FB0];
	_ =	sdelay $0x3  }
0x34: {  	[smem:$0x3FB0] =	sst s10  }
0x35: {  	s10 =	sld [smem:$0x3FAF];
	_ =	sdelay $0x3  }
0x36: {  	p1 =	seq.s32 s10, $0x1;
	s10 =	sld [smem:$0x3FB0];
	_ =	sdelay $0x3  }
0x37: {  	[smem:$0x3FB0] =	sst s10  }
0x38: {  	s10 =	sld [smem:$0x3FB1]  }
0x39: {  	_ = 	snop;
	(pc) =	sbr.ind lr, $3  }
0x3a: {  	_ = 	snop  }
0x3b: {  	_ = 	snop  }
0x3c: {  	p2 =	seq.s32 s10, $0x1;
	s10 =	sld [smem:$0x3FB0]  }
0x3d: {  	_ =	shalt  }
0x3e: {  	_ =	shalt  }
0x3f: {  	_ =	shalt  }
0x40: {  	_ =	shalt  }
0x41: {  	_ =	shalt  }
0x42: {  	_ =	shalt  }
0x43: {  	_ =	shalt  }
0x44: {  	_ =	shalt  }
0x45: {  	_ =	shalt  }
0x46: {  	_ =	shalt  }
0x47: {  	_ =	shalt  }
0x48: {  	_ =	shalt  }
0x49: {  	_ =	shalt  }
0x4a: {  	_ =	shalt  }
0x4b: {  	_ =	shalt  }
0x4c: {  	_ =	shalt  }
0x4d: {  	_ =	shalt  }
0x4e: {  	_ =	shalt  }
0x4f: {  	_ =	shalt  }
0x50: {  	_ =	shalt  }
0x51: {  	_ =	shalt  }
0x52: {  	_ =	shalt  }
0x53: {  	_ =	shalt  }
0x54: {  	_ =	shalt  }
0x55: {  	_ =	shalt  }
0x56: {  	_ =	shalt  }
0x57: {  	_ =	shalt  }
0x58: {  	_ =	shalt  }
0x59: {  	_ =	shalt  }
0x5a: {  	_ =	shalt  }
0x5b: {  	_ =	shalt  }
0x5c: {  	_ =	shalt  }
0x5d: {  	_ =	shalt  }
0x5e: {  	_ =	shalt  }
0x5f: {  	_ =	shalt  }
0x60: {  	_ =	shalt  }
0x61: {  	_ =	shalt  }
0x62: {  	_ =	shalt  }
0x63: {  	_ =	shalt  }
0x64: {  	_ =	shalt  }
0x65: {  	_ =	shalt  }
0x66: {  	_ =	shalt  }
0x67: {  	_ =	shalt  }
0x68: {  	_ =	shalt  }
0x69: {  	_ =	shalt  }
0x6a: {  	_ =	shalt  }
0x6b: {  	_ =	shalt  }
0x6c: {  	_ =	shalt  }
0x6d: {  	_ =	shalt  }
0x6e: {  	_ =	shalt  }
0x6f: {  	_ =	shalt  }
0x70: {  	_ =	shalt  }
0x71: {  	_ =	shalt  }
0x72: {  	_ =	shalt  }
0x73: {  	_ =	shalt  }
0x74: {  	_ =	shalt  }
0x75: {  	_ =	shalt  }
0x76: {  	_ =	shalt  }
0x77: {  	_ =	shalt  }
0x78: {  	_ =	shalt  }
0x79: {  	_ =	shalt  }
0x7a: {  	_ =	shalt  }
0x7b: {  	_ =	shalt  }
0x7c: {  	_ =	shalt  }
0x7d: {  	_ =	shalt  }
0x7e: {  	_ =	shalt  }
0x7f: {  	_ =	shalt  }
0x80: {  	_ =	shalt  }
0x81: {  	_ =	shalt  }
0x82: {  	_ =	shalt  }
0x83: {  	_ =	shalt  }
0x84: {  	_ =	shalt  }
0x85: {  	_ =	shalt  }
0x86: {  	_ =	shalt  }
0x87: {  	_ =	shalt  }
.Lfunc_end0:
.L_simem_size_0:
called_computation_lowered:
.L_overlay_start_0:
0x88: {  	s2 =	sld [smem:$0x3FD9]  }
0x89: {  	s3 =	sld [smem:$0x3FFE];
	_ =	sdelay $0x1  }
0x8a: {  	s1 =	srdreg.scid  }
0x8b: {  	s0 =	sand.u32 $0x1, s1  }
0x8c: {  	s14 =	sshll.u32 s0, $0xA;
	s2 =	sadd.s32 s3, s2  }
0x8d: {  	s2 =	sadd.s32 s2, s14  }
0x8e: {  	[smem:$0x3FBC] =	sst s2  }
0x8f: {  	_ = 	snop  }
0x90: {  	s2 =	sld [smem:$0x3FD0];
	_ =	sdelay $0x2  }
0x91: {  	s15 =	simm.s32 $0xA;
	s4 =	simm.s32 $0x10  }
0x92: {  	[smem:s4], [sflag:s15] =	dma.local [hbm:s2], $0x1  }
0x93: {  	_ =	swait.eq [sflag:s15], $0x1  }
0x94: {  	[sflag:s15] =	ssyncset.done $0x0  }
0x95: {  	[sflag:s15] =	ssyncadd.s32 $0xFFFFFFFF  }
0x96: {  	s16 =	sld [smem:$0x10];
	(tm) =	ssettm $0x1  }
0x97: {  	s17 =	sld [smem:$0x3FFB];
	_ =	sdelay $0x3  }
0x98: {  	_ =	strace s17  }
0x99: {  	s3 =	sld [smem:$0x3FFC];
	_ =	sdelay $0x3  }
0x9a: {  	_ =	strace s3  }
0x9b: {  	s3 =	sld [smem:$0x3FFD];
	_ =	sdelay $0x3  }
0x9c: {  	_ =	strace s3  }
0x9d: {  	_ =	strace $0x8FFFFFFF  }
0x9e: {  	s18 =	sld [smem:$0x3FDB];
	_ =	sdelay $0x1  }
0x9f: {  	s19 =	simm.s32 $_scs_section_size  }
0xa0: {  	s5 =	simm.s32 $_size__tile_overlayer_lowered;
	s6 =	simm.s32 $_tile_overlayer_lowered  }
0xa1: {  	s22 =	simm.s32 $0x1BFF;
	s21 =	sshll.u32 s6, $0x1;
	s3 =	sadd.s32 s19, s18  }
0xa2: {  	s7 =	simm.s32 $0x0;
	s20 =	sshll.u32 s5, $0x1;
	s5 =	sadd.s32 s21, s3  }
0xa3: {  	[timem:s7], [sflag:s22] =	dma.local [hbm:s5], s20  }
0xa4: {  	_ =	swait.ge [sflag:s22], s20  }
0xa5: {  	s4 =	ssub.s32 $0x0, s20;
	[sflag:s22] =	ssyncset.done $0x0  }
0xa6: {  	[sflag:s22] =	ssyncadd.s32 s4;
	_ =	sdelay $0x1  }
0xa7: {  	s23 =	simm.s32 $0x1B8B  }
0xa8: {  	_ =	swait.ge [sflag:s23], $0x1  }
0xa9: {  	[sflag:s23] =	ssyncset.done $0x0  }
0xaa: {  	s25 =	simm.s32 $0x1B8E;
	s24 =	sld [smem:$0x3FFE];
	[sflag:s23] =	ssyncadd.s32 $0xFFFFFFFF  }
0xab: {  	s26 =	simm.s32 $execute0_lowered;
	[smem:$0x3FD2] =	sst s25  }
0xac: {  	s5 =	sshll.u32 s26, $0x1;
	_ =	strace $0x80000046;
	[dreg:$0x1] =	wrdreg $0xFFFFFFFF  }
0xad: {  	s28 =	simm.s32 $_size_execute0_lowered;
	s3 =	sadd.s32 s3, s5;
	[dreg:$0x0] =	wrdreg $0x0  }
0xae: {  	s5 =	sshll.u32 s28, $0x1;
	[dreg:$0x2] =	wrdreg s3  }
0xaf: {  	[dreg:$0x3] =	wrdreg s5  }
0xb0: {  	[dreg:$0x4] =	wrdreg $0xC0  }
0xb1: {  	_ =	task [dreg:s7], $0x5FFFF  }
0xb2: {  	[dreg:$0x1] =	wrdreg $0xFFFFFFFF  }
0xb3: {  	[dreg:$0x0] =	wrdreg $0x60  }
0xb4: {  	[dreg:$0x2] =	wrdreg s24  }
0xb5: {  	[dreg:$0x3] =	wrdreg s16  }
0xb6: {  	[dreg:$0x4] =	wrdreg $0x6F000  }
0xb7: {  	[dreg:$0x5] =	wrdreg $0x9  }
0xb8: {  	_ =	task.clear_ibuf [dreg:s7], $0x6FFFF;
	_ =	strace $0x90000046  }
0xb9: {  	s29 =	simm.s32 $0x9;
	_ =	strace $0x80000048  }
0xba: {  	_ =	swait.ge [sflag:s29], $0x1  }
0xbb: {  	[sflag:s29] =	ssyncadd.s32 $0xFFFFFFFF  }
0xbc: {  	_ =	strace $0x90000048  }
0xbd: {  	_ =	sfence  }
0xbe: {  	s30 =	sld [smem:$0x0];
	_ =	sdelay $0x2  }
0xbf: {  	s31 =	sshll.u32 s1, $0xD;
	s1 =	sshrl.u32 s1, $0x2  }
0xc0: {  	s3 =	sand.u32 $0x4000, s31;
	s1 =	sadd.s32 s1, s30  }
0xc1: {  	s0 =	sor.u32 s3, s0;
	s1 =	sshll.u32 s1, $0x11  }
0xc2: {  	s0 =	sor.u32 s1, s0  }
0xc3: {  	s0 =	sadd.s32 $0x8F2B, s0  }
0xc4: {  	[sflag:s0] =	ssyncadd.remote.s32 $0x1  }
0xc5: {  	_ =	sfence.sel $0xFFFF  }
0xc6: {  	[dreg:$0x0] =	wrdreg $0xFFFFFFFF;
	(pc) =	sbr.abs _section_cstart, $3  }
0xc7: {  	[dreg:$0x1] =	wrdreg $0xFFFFFFFF  }
0xc8: {  	_ =	task.clear_ibuf [dreg:s7], $0x2FFFF;
	_ =	strace $0x9FFFFFFF  }
0xc9: {  	(tm) =	ssettm $0x7FFFFFFF  }
tec
execute0_lowered:
.L_overlay_start_1:
0x0: {  	(tag) =	ssettag $0x1  }
0x1: {  	s5 =	rddreg [dreg:$0x0]  }
0x2: {  	s6 =	rddreg [dreg:$0x1]  }
0x3: {  	s2 =	rddreg [dreg:$0x2]  }
0x4: {  	s0 =	rddreg [dreg:$0x3]  }
0x5: {  	s3 =	simm.s32 $0x0;
	s1 =	stileid.u32;
	s4 =	srdreg.scid  }
0x6: {  	s13 =	simm.s32 $0x4F00;
	s14 =	simm.s32 $0x1;
	s15 =	simm.s32 $0x0  }
0x7: {  	[smem:$0x7FF] =	sst s3;
	s7 =	smul.u32 $0xA000, s1;
	s8 =	sand.u32 $0x1, s4  }
0x8: {  	s10 =	sshll.u32 s1, $0x1;
	s4 =	sadd.s32 $0x1600, s5;
	s31 =	sshll.u32 s1, $0x6  }
0x9: {  	_ =	strace $0x80000047;
	s9 =	smul.u32 $0xA0000, s8;
	s10 =	sor.u32 s8, s10  }
0xa: {  	s8 =	ssub.s32 $0x2, s8;
	s11 =	sshrl.u32 s7, $0x3;
	s10 =	smul.u32 $0x9E0, s10  }
0xb: {  	s12 =	sshrl.u32 s8, $0x1;
	s30 =	sadd.s32 s7, s2;
	s9 =	sadd.s32 s7, s9  }
0xc: {  	s11 =	sadd.s32 s11, s5;
	s8 =	ssub.s32 s8, s12;
	s9 =	sshrl.u32 s9, $0x3  }
0xd: {  	s12 =	simm.s32 $0x80;
	s8 =	smax.u32 s8, $0x1;
	s9 =	sadd.s32 s9, s5  }
0xe: {  	s5 =	sadd.s32 s6, s10;
	s6 =	sadd.s32 $0x15600, s11;
	s10 =	sor.u32 $0x1C02, s31  }
0xf: {  	s11 =	sshrl.u32 s30, $0x3;
	s7 =	sadd.s32 $0x29600, s9;
	s9 =	simm.s32 $0x2  }
.LBB2_1:
0x10: {  	[tilespmem:s3], [sflag:$0x2] =	stream.linear.gather [hbm4b:s5+s3], $0x4F00, $0x38;
	[tilespmem:$0x10F00] =	vst v63  }
0x11: {  	_ =	swait.ge [sflag:s9], $0x4F00  }
0x12: {  	[sflag:s9] =	ssyncset.done $0x0  }
0x13: {  	[sflag:s9] =	ssyncadd.s32 $0xFFFFB100  }
0x14: {  	[spmem:s11], [sflag:s10] =	dma.local [hbm:s6], $0x1400  }
0x15: {  	_ =	swait.ge [sflag:s9], $0x1400  }
0x16: {  	[sflag:s9] =	ssyncset.done $0x0  }
0x17: {  	[sflag:s9] =	ssyncadd.s32 $0xFFFFEC00  }
0x18: {  	s16 =	simm.s32 $0x0;
	[bflag:$0x0] =	sbarrier.arrive $0xFFFF  }
0x19: {  	[tilespmem:s13], [sflag:$0x1] =	stream.indirect.gather [hbm4b:s4+s12], $0x40, s16, s12, $0xb8;
	[tilespmem:$0x10F00] =	vst v63  }
0x1a: {  	_ =	swait.ge [sflag:s14], $0x2000  }
0x1b: {  	[sflag:s14] =	ssyncset.done $0x0  }
0x1c: {  	s31 =	simm.s32 $0x80;
	[sflag:s14] =	ssyncadd.s32 $0xFFFFE000  }
0x1d: {  	[spmem:s2] =	stream.indirect.scatter.add.f32 [tilespmem:s13], [sflag:$0x2], $0x40, s31, s12, $0xb8;
	[tilespmem:$0x10F00] =	vst v63  }
0x1e: {  	_ =	swait.ge [sflag:s9], $0x2000  }
0x1f: {  	s17 =	simm.s32 $0x800;
	s16 =	simm.s32 $0x400;
	[sflag:s9] =	ssyncset.done $0x0  }
.LBB2_2:
0x20: {  	s18 =	sshra.s32 s16, $0x2  }
0x21: {  	[sflag:s9] =	ssyncadd.s32 $0xFFFFE000;
	s16 =	smov.u32 s17;
	s19 =	sadd.s32 $0x400, s17  }
0x22: {  	[tilespmem:s13], [sflag:$0x1] =	stream.indirect.gather [hbm4b:s4+s12], $0x40, s18, s12, $0xb8;
	[tilespmem:$0x10F00] =	vst v63  }
0x23: {  	p0 =	sne.s32 s17, $0x13800;
	_ =	swait.ge [sflag:s14], $0x2000  }
.Ltmp0:
0x24: {  	[sflag:s14] =	ssyncset.done $0x0;
	(pc) =	sbr.rel @p0 .LBB2_2-.Ltmp0, $4  }
0x25: {  	s17 =	sadd.s32 $0x80, s18;
	[sflag:s14] =	ssyncadd.s32 $0xFFFFE000  }
0x26: {  	[spmem:s2] =	stream.indirect.scatter.add.f32 [tilespmem:s13], [sflag:$0x2], $0x40, s17, s12, $0xb8;
	[tilespmem:$0x10F00] =	vst v63  }
0x27: {  	_ =	swait.ge [sflag:s9], $0x2000  }
0x28: {  	s17 =	smov.u32 s19;
	[sflag:s9] =	ssyncset.done $0x0  }
0x29: {  	s16 =	sshra.s32 s16, $0x2;
	[sflag:s9] =	ssyncadd.s32 $0xFFFFE000  }
0x2a: {  	[tilespmem:s13], [sflag:$0x1] =	stream.indirect.gather [hbm4b:s4+s12], $0x40, s16, s12, $0xb8;
	[tilespmem:$0x10F00] =	vst v63  }
0x2b: {  	_ =	swait.ge [sflag:s14], $0x2000  }
0x2c: {  	[sflag:s14] =	ssyncset.done $0x0  }
0x2d: {  	s16 =	sadd.s32 $0x80, s16;
	[sflag:s14] =	ssyncadd.s32 $0xFFFFE000  }
0x2e: {  	[spmem:s2] =	stream.indirect.scatter.add.f32 [tilespmem:s13], [sflag:$0x2], $0x40, s16, s12, $0xb8;
	[tilespmem:$0x10F00] =	vst v63  }
0x2f: {  	_ =	swait.ge [sflag:s9], $0x2000  }
0x30: {  	s15 =	sadd.s32 $0x1, s15;
	[sflag:s9] =	ssyncset.done $0x0  }
0x31: {  	p0 =	sne.s32 s15, s8;
	[sflag:s9] =	ssyncadd.s32 $0xFFFFE000  }
.Ltmp1:
0x32: {  	[bflag:$0x0] =	sbarrier.arrive $0xFFFF;
	(pc) =	sbr.rel @p0 .LBB2_1-.Ltmp1, $4  }
0x33: {  	[hbm:s7], [sflag:s10] =	dma.local [spmem:s11], $0x1400  }
0x34: {  	_ =	swait.ge [sflag:s9], $0x1400  }
0x35: {  	[sflag:s9] =	ssyncset.done $0x0  }
0x36: {  	[sflag:s9] =	ssyncadd.s32 $0xFFFFEC00  }
0x37: {  	_ =	sfence.sel $0x180000  }
0x38: {  	[bflag:$0x0] =	sbarrier.arrive $0xFFFF  }
0x39: {  	p0 =	sne.s32 s1, $0x0;
	_ =	strace $0x90000047  }
0x3a: {  	s0 =	sadd.s32 @!p0 $0x100000, s0;
	[bflag:$0x2] =	sbarrier.arrive $0xFFFF  }
0x3b: {  	[sflag:s0] =	ssyncadd.tile.s32 @!p0 $0x1;
	_ =	shalt  }
.Lfunc_end2:
_tile_overlayer_lowered:
.L_overlay_start_2:
0x3c: {  	(tag) =	ssettag $0x2  }
0x3d: {  	s0 =	rddreg [dreg:$0x0];
	s2 =	stileid.u32  }
0x3e: {  	s1 =	rddreg [dreg:$0x1];
	p0 =	sne.s32 s2, $0x0  }
0x3f: {  	s3 =	rddreg [dreg:$0x2];
	[bflag:$0x3] =	sbarrier.arrive $0xFFFF;
	s2 =	simm.s32 @!p0 $0x1C02  }
0x40: {  	[timem:s3], [sflag:s2] =	dma.local @!p0 [hbm:s0], s1  }
0x41: {  	s0 =	simm.s32 @!p0 $0x2  }
0x42: {  	_ =	swait.ge @!p0 [sflag:s0], s1  }
0x43: {  	s1 =	ssub.s32 @!p0 $0x0, s1;
	[sflag:s0] =	ssyncset.done @!p0 $0x0  }
0x44: {  	[sflag:s0] =	ssyncadd.s32 @!p0 s1  }
0x45: {  	[bflag:$0x3] =	sbarrier.arrive $0xFFFF  }
0x46: {  	_ =	shalt  }

</sc_bundles>
